<compile_context>
chip_gen: v7x
topology: tpu7x:2x2x1
jax: 0.10.2.dev20260603
libtpu: 0.0.44.dev20260713+nightly
codegen_flags: <defaults>
</compile_context>

<pallas_src>
import functools

import jax
import jax.numpy as jnp
from jax import lax
from jax.experimental import pallas as pl
from jax.experimental.pallas import tpu as pltpu
from jax.experimental.pallas import tpu_sc as plsc

NUM_CLASSES = 10
K = 5
MEMORY_SIZE = 50000
N_SAMP = 10000
N_PAD = 10240
QB = 512

_SENTINEL = 3.4028235e38


def _knn_block_kernel(xf_ref, xn_ref, memT_ref, aux_ref, eye_ref, out_ref):
    xq = xf_ref[...]
    memT = memT_ref[...]
    aux = aux_ref[...]
    xn = xn_ref[...]
    yn = aux[0:1, :]
    lab = aux[1:2, :]

    mm = jnp.dot(xq, memT)
    v = (xn + yn) + mm

    def _ce(a, bb):
        return jnp.minimum(a, bb), jnp.maximum(a, bb)

    def _merge5(a, b, resort=True):
        L = [jnp.minimum(a[i], b[4 - i]) for i in range(5)]
        if resort:
            for (i, j) in ((0, 4), (0, 2), (1, 3), (0, 1), (2, 3)):
                L[i], L[j] = _ce(L[i], L[j])
        return L

    _S8 = (("ce", 0, 1), ("ce", 2, 3), ("ce", 4, 5), ("ce", 6, 7),
           ("ce", 0, 2), ("ce", 1, 3), ("ce", 4, 6), ("ce", 5, 7),
           ("ce", 1, 2), ("ce", 5, 6),
           ("ce", 0, 4), ("ce", 1, 5), ("min", 2, 6), ("min", 3, 7),
           ("ce", 2, 4), ("min", 3, 5),
           ("ce", 1, 2), ("ce", 3, 4))

    groups = []
    for g in range(10):
        p = [v[:, (g * 8 + k) * 128:(g * 8 + k + 1) * 128] for k in range(8)]
        for (kind, i, j) in _S8:
            if kind == "ce":
                p[i], p[j] = _ce(p[i], p[j])
            else:
                p[i] = jnp.minimum(p[i], p[j])
        groups.append(p[:5])
    while len(groups) > 1:
        ng = [_merge5(a, b, resort=(len(groups) > 2))
              for a, b in zip(groups[0::2], groups[1::2])]
        if len(groups) % 2:
            ng.append(groups[-1])
        groups = ng
    s = groups[0]

    cand = jnp.concatenate(s, axis=1)
    col = lax.broadcasted_iota(jnp.int32, (QB, 640), 1)
    for _ in range(K - 1):
        m = jnp.min(cand, axis=1, keepdims=True)
        masked_iota = jnp.where(cand == m, col, jnp.int32(640))
        idx = jnp.min(masked_iota, axis=1, keepdims=True)
        cand = jnp.where(col == idx, _SENTINEL, cand)
    t5 = jnp.min(cand, axis=1, keepdims=True)

    below = (v < t5).astype(jnp.float32)
    eqm = (v == t5).astype(jnp.float32)

    cls16 = lax.broadcasted_iota(jnp.int32, (16, N_PAD), 0)
    onehotT = (lab.astype(jnp.int32) == cls16).astype(jnp.float32)
    dn = (((1,), (1,)), ((), ()))
    counts_b = lax.dot_general(below, onehotT, dn)
    counts_e = lax.dot_general(eqm, onehotT, dn)

    nb = jnp.sum(counts_b, axis=1, keepdims=True)
    cls_row16 = lax.broadcasted_iota(jnp.int32, (QB, 16), 1)
    lbound = jnp.min(jnp.where(counts_e > 0.0, cls_row16, jnp.int32(16)),
                     axis=1, keepdims=True)
    counts = counts_b + jnp.where(cls_row16 == lbound, 5.0 - nb, 0.0)

    maxc = jnp.max(counts, axis=1, keepdims=True)
    cls_row = lax.broadcasted_iota(jnp.int32, (QB, 16), 1)
    pred = jnp.min(jnp.where(counts == maxc, cls_row, jnp.int32(16)),
                   axis=1, keepdims=True)
    oh = (cls_row == pred).astype(jnp.float32)
    out16 = jnp.dot(oh, eye_ref[...])
    out_ref[...] = out16[:, :NUM_CLASSES]


def _run_tc(xf, xn, memT, aux, eye16):
    n = xf.shape[0]
    grid = n // QB
    return pl.pallas_call(
        _knn_block_kernel,
        grid=(grid,),
        in_specs=[
            pl.BlockSpec((QB, 16), lambda i: (i, 0)),
            pl.BlockSpec((QB, 1), lambda i: (i, 0)),
            pl.BlockSpec((16, N_PAD), lambda i: (0, 0)),
            pl.BlockSpec((8, N_PAD), lambda i: (0, 0)),
            pl.BlockSpec((16, 16), lambda i: (0, 0)),
        ],
        out_specs=pl.BlockSpec((QB, NUM_CLASSES), lambda i: (i, 0)),
        out_shape=jax.ShapeDtypeStruct((n, NUM_CLASSES), jnp.float32),
        compiler_params=pltpu.CompilerParams(
            dimension_semantics=("parallel",)),
    )(xf, xn, memT, aux, eye16)


_NW = 32
_BPW = N_PAD // _NW


def _sc_gather(memx, memy_flat, idx_pad):
    mesh = plsc.VectorSubcoreMesh(core_axis_name="c", subcore_axis_name="s")

    @functools.partial(
        pl.kernel, mesh=mesh,
        compiler_params=pltpu.CompilerParams(use_tc_tiling_on_sc=False),
        out_type=[jax.ShapeDtypeStruct((N_PAD, 16), jnp.float32),
                  jax.ShapeDtypeStruct((N_PAD,), jnp.int32)],
        scratch_types=[pltpu.VMEM((_BPW,), jnp.int32),
                       pltpu.VMEM((_BPW, 16), jnp.float32),
                       pltpu.VMEM((_BPW,), jnp.int32),
                       pltpu.SemaphoreType.DMA],
    )
    def gather_k(memx_hbm, memy_hbm, idx_hbm, outx_hbm, outy_hbm,
                 idx_v, rows_v, lab_v, sem):
        wid = lax.axis_index("s") * 2 + lax.axis_index("c")
        base = wid * _BPW
        pltpu.sync_copy(idx_hbm.at[pl.ds(base, _BPW)], idx_v)
        pltpu.async_copy(memx_hbm.at[idx_v], rows_v, sem).wait()
        pltpu.sync_copy(rows_v, outx_hbm.at[pl.ds(base, _BPW)])
        pltpu.async_copy(memy_hbm.at[idx_v], lab_v, sem).wait()
        pltpu.sync_copy(lab_v, outy_hbm.at[pl.ds(base, _BPW)])

    return gather_k(memx, memy_flat, idx_pad)


def kernel(x, y, memory_x, memory_y, eye):
    b, c, h, w = x.shape
    xf = jnp.transpose(x, (0, 2, 3, 1)).reshape(b * h * w, c)
    n = xf.shape[0]

    n_samp = min(MEMORY_SIZE, N_SAMP)
    mem_idx = jax.random.randint(jax.random.key(1234), (n_samp,), 0, n,
                                 dtype=jnp.int32)

    pad = N_PAD - n_samp
    idx_pad = jnp.concatenate([mem_idx, jnp.zeros((pad,), jnp.int32)])
    rows, lab_p = _sc_gather(memory_x, memory_y[:, 0], idx_pad)

    xn = jnp.sum(xf ** 2, axis=1).reshape(-1, 1)
    yn = jnp.sum(rows[:n_samp] ** 2, axis=1)

    memT = -2.0 * rows.T
    yn_p = jnp.concatenate([yn, jnp.full((pad,), jnp.inf, jnp.float32)])
    aux = jnp.zeros((8, N_PAD), jnp.float32)
    aux = aux.at[0, :].set(yn_p)
    aux = aux.at[1, :].set(lab_p.astype(jnp.float32))

    eye16 = jnp.zeros((16, 16), jnp.float32).at[:NUM_CLASSES, :NUM_CLASSES].set(eye)

    out2d = _run_tc(xf, xn, memT, aux, eye16)
    return jnp.transpose(out2d.reshape(b, h, w, NUM_CLASSES), (0, 3, 1, 2))

# --- scband reference (transcript-rebuilt; emitter-appended) ---
"""Pipeline reference for scband-k-nn-1717986918440 (READ-ONLY COPY).

The authoritative reference and input builder live on the scoring server;
editing this copy changes nothing except your own understanding.
"""

import jax, jax.numpy as jnp
import numpy as np

NUM_CLASSES = 10
K = 5
MEMORY_SIZE = 50000


def pairwise_distances(x, y):
    x_norm = jnp.sum(x ** 2, axis=1).reshape(-1, 1)
    y_norm = jnp.sum(y ** 2, axis=1).reshape(1, -1)
    return x_norm + y_norm - 2.0 * jnp.matmul(x, y.T)


def setup_inputs(seed: int = 0):
    key = jax.random.key(seed)
    k1, k2, k3, k4 = jax.random.split(key, 4)
    x = jax.random.normal(k1, (2, 16, 64, 64), dtype=jnp.float32)
    y = jax.random.uniform(k2, (2, 10, 64, 64), dtype=jnp.float32)
    memory_x = jax.random.normal(k3, (MEMORY_SIZE, 16), dtype=jnp.float32)
    memory_y = jax.random.randint(k4, (MEMORY_SIZE, 1), 0, NUM_CLASSES, dtype=jnp.int32)
    eye = jnp.eye(NUM_CLASSES, dtype=jnp.float32)
    return {"x": x, "y": y, "memory_x": memory_x, "memory_y": memory_y, "eye": eye}


def reference(x, y, memory_x, memory_y, eye):
    # Faithful translation of the eval-path forward of kNN (metric='L2', use_ndvi=False).
    # memory_x / memory_y are the module's stateful memory buffers, materialized as inputs.
    b, c, h, w = x.shape
    summed_y = jnp.sum(y, axis=1, keepdims=True)  # computed as in original (unused on eval path)
    y_lab = jnp.argmax(y, axis=1)  # computed as in original (unused on eval path)
    xf = jnp.transpose(x, (0, 2, 3, 1)).reshape(b * h * w, c)
    n = xf.shape[0]
    # original samples min(memory_size, 10000) indices from range [0, x.shape[0]) (faithful to source)
    n_samp = min(MEMORY_SIZE, 10000)
    mem_idx = jax.random.randint(jax.random.key(1234), (n_samp,), 0, n, dtype=jnp.int32)
    memory_x_sample = jnp.take(memory_x, mem_idx, axis=0)
    memory_y_sample = jnp.take(memory_y, mem_idx, axis=0)
    dist_mat = pairwise_distances(xf, memory_x_sample)
    # topk smallest distances
    neg_vals, knn_idx = jax.lax.top_k(-dist_mat, K)
    label_sets = jnp.take(memory_y_sample[:, 0], knn_idx, axis=0)  # [n, K]
    # torch.mode over dim=1: majority label, ties broken toward smallest label (argmax picks first max)
    counts = jnp.sum(jax.nn.one_hot(label_sets, NUM_CLASSES, dtype=jnp.float32), axis=1)
    preds = jnp.argmax(counts, axis=1)
    one_hot_preds = jnp.take(eye, preds, axis=0)
    one_hot_preds = jnp.transpose(one_hot_preds.reshape(b, h, w, -1), (0, 3, 1, 2))
    return one_hot_preds

if __name__ == "__main__":
    import jax
    _d = setup_inputs()
    print(jax.jit(kernel)(*tuple(_d.values())))

</pallas_src>

<mosaic_0001>
#map = affine_map<(d0, d1) -> (0, 0)>
#map1 = affine_map<(d0, d1) -> (0)>
module attributes {stable_mosaic.version = 14 : i64} {
  func.func @gather_k(%arg0: i32, %arg1: i32, %arg2: memref<50000x16xf32, #tpu.memory_space<hbm>>, %arg3: memref<50000xi32, #tpu.memory_space<hbm>>, %arg4: memref<10240xi32, #tpu.memory_space<hbm>>, %arg5: memref<10240x16xf32, #tpu.memory_space<hbm>>, %arg6: memref<10240xi32, #tpu.memory_space<hbm>>, %arg7: memref<320xi32, #tpu.memory_space<vmem>>, %arg8: memref<320x16xf32, #tpu.memory_space<vmem>>, %arg9: memref<320xi32, #tpu.memory_space<vmem>>, %arg10: memref<!tpu.dma_semaphore, #tpu.memory_space<semaphore_mem>>) attributes {dimension_semantics = [#tpu.dimension_semantics<core_parallel>, #tpu.dimension_semantics<subcore_parallel>], iteration_bounds = array<i64: 2, 16>, scalar_prefetch = 0 : i64, scratch_operands = 4 : i64, tpu.core_type = #tpu.core_type<sc_vector_subcore>, window_params = [{transform_indices = #map}, {transform_indices = #map1}, {transform_indices = #map1}, {transform_indices = #map}, {transform_indices = #map1}]} {
    %mul3A = arith.constant 2 : i32
    %mul3A_0 = arith.muli %arg1, %mul3A : i32
    %add3A = arith.addi %mul3A_0, %arg0 : i32
    %mul3A_1 = arith.constant 320 : i32
    %mul3A_2 = arith.muli %add3A, %mul3A_1 : i32
    "tpu.region"() ({
      %run_scoped3A = tpu.sem_alloc : memref<!tpu.dma_semaphore, #tpu.memory_space<semaphore_mem>>
      %dma_start3A_11 = tpu.memref_slice %arg4[%mul3A_2] : memref<10240xi32, #tpu.memory_space<hbm>> -> memref<320xi32, #tpu.memory_space<hbm>>
      %dma_start3A_12 = tpu.memref_slice %arg4[%mul3A_2] : memref<10240xi32, #tpu.memory_space<hbm>> -> memref<320xi32, #tpu.memory_space<hbm>>
      tpu.enqueue_dma source(%dma_start3A_12 : memref<320xi32, #tpu.memory_space<hbm>>) target(%arg7 : memref<320xi32, #tpu.memory_space<vmem>>) target_semaphore(%run_scoped3A : memref<!tpu.dma_semaphore, #tpu.memory_space<semaphore_mem>>)
      %dma_wait3A_13 = tpu.memref_slice %arg4[%mul3A_2] : memref<10240xi32, #tpu.memory_space<hbm>> -> memref<320xi32, #tpu.memory_space<hbm>>
      %dma_wait3A_14 = tpu.memref_slice %arg4[%mul3A_2] : memref<10240xi32, #tpu.memory_space<hbm>> -> memref<320xi32, #tpu.memory_space<hbm>>
      tpu.wait_dma2 semaphore(%run_scoped3A : memref<!tpu.dma_semaphore, #tpu.memory_space<semaphore_mem>>) src(%dma_wait3A_14 : memref<320xi32, #tpu.memory_space<hbm>>) dst(%arg7 : memref<320xi32, #tpu.memory_space<vmem>>)
      tpu.yield
    }) : () -> ()
    %dma_start3A = arith.constant 0 : i32
    %dma_start3A_3 = arith.constant 0 : i32
    %dma_start3A_4 = tpu.memref_slice %arg2[%dma_start3A, %dma_start3A_3] : memref<50000x16xf32, #tpu.memory_space<hbm>> -> memref<50000x16xf32, #tpu.memory_space<hbm>>
    tpu.enqueue_indirect_dma source(%dma_start3A_4 : memref<50000x16xf32, #tpu.memory_space<hbm>>) target(%arg8 : memref<320x16xf32, #tpu.memory_space<vmem>>) offsets(%arg7 : memref<320xi32, #tpu.memory_space<vmem>>) semaphore(%arg10 : memref<!tpu.dma_semaphore, #tpu.memory_space<semaphore_mem>>)
    %dma_wait3A = arith.constant 0 : i32
    %dma_wait3A_5 = arith.constant 0 : i32
    %dma_wait3A_6 = tpu.memref_slice %arg2[%dma_wait3A, %dma_wait3A_5] : memref<50000x16xf32, #tpu.memory_space<hbm>> -> memref<50000x16xf32, #tpu.memory_space<hbm>>
    tpu.wait_indirect_dma semaphore(%arg10 : memref<!tpu.dma_semaphore, #tpu.memory_space<semaphore_mem>>) src(%dma_wait3A_6 : memref<50000x16xf32, #tpu.memory_space<hbm>>) dst(%arg8 : memref<320x16xf32, #tpu.memory_space<vmem>>)
    "tpu.region"() ({
      %run_scoped3A = tpu.sem_alloc : memref<!tpu.dma_semaphore, #tpu.memory_space<semaphore_mem>>
      %dma_start3A_11 = arith.constant 0 : i32
      %dma_start3A_12 = tpu.memref_slice %arg5[%mul3A_2, %dma_start3A_11] : memref<10240x16xf32, #tpu.memory_space<hbm>> -> memref<320x16xf32, #tpu.memory_space<hbm>>
      %dma_start3A_13 = arith.constant 0 : i32
      %dma_start3A_14 = tpu.memref_slice %arg5[%mul3A_2, %dma_start3A_13] : memref<10240x16xf32, #tpu.memory_space<hbm>> -> memref<320x16xf32, #tpu.memory_space<hbm>>
      tpu.enqueue_dma source(%arg8 : memref<320x16xf32, #tpu.memory_space<vmem>>) target(%dma_start3A_14 : memref<320x16xf32, #tpu.memory_space<hbm>>) target_semaphore(%run_scoped3A : memref<!tpu.dma_semaphore, #tpu.memory_space<semaphore_mem>>)
      %dma_wait3A_15 = arith.constant 0 : i32
      %dma_wait3A_16 = tpu.memref_slice %arg5[%mul3A_2, %dma_wait3A_15] : memref<10240x16xf32, #tpu.memory_space<hbm>> -> memref<320x16xf32, #tpu.memory_space<hbm>>
      %dma_wait3A_17 = arith.constant 0 : i32
      %dma_wait3A_18 = tpu.memref_slice %arg5[%mul3A_2, %dma_wait3A_17] : memref<10240x16xf32, #tpu.memory_space<hbm>> -> memref<320x16xf32, #tpu.memory_space<hbm>>
      tpu.wait_dma2 semaphore(%run_scoped3A : memref<!tpu.dma_semaphore, #tpu.memory_space<semaphore_mem>>) src(%arg8 : memref<320x16xf32, #tpu.memory_space<vmem>>) dst(%dma_wait3A_18 : memref<320x16xf32, #tpu.memory_space<hbm>>)
      tpu.yield
    }) : () -> ()
    %dma_start3A_7 = arith.constant 0 : i32
    %dma_start3A_8 = tpu.memref_slice %arg3[%dma_start3A_7] : memref<50000xi32, #tpu.memory_space<hbm>> -> memref<50000xi32, #tpu.memory_space<hbm>>
    tpu.enqueue_indirect_dma source(%dma_start3A_8 : memref<50000xi32, #tpu.memory_space<hbm>>) target(%arg9 : memref<320xi32, #tpu.memory_space<vmem>>) offsets(%arg7 : memref<320xi32, #tpu.memory_space<vmem>>) semaphore(%arg10 : memref<!tpu.dma_semaphore, #tpu.memory_space<semaphore_mem>>)
    %dma_wait3A_9 = arith.constant 0 : i32
    %dma_wait3A_10 = tpu.memref_slice %arg3[%dma_wait3A_9] : memref<50000xi32, #tpu.memory_space<hbm>> -> memref<50000xi32, #tpu.memory_space<hbm>>
    tpu.wait_indirect_dma semaphore(%arg10 : memref<!tpu.dma_semaphore, #tpu.memory_space<semaphore_mem>>) src(%dma_wait3A_10 : memref<50000xi32, #tpu.memory_space<hbm>>) dst(%arg9 : memref<320xi32, #tpu.memory_space<vmem>>)
    "tpu.region"() ({
      %run_scoped3A = tpu.sem_alloc : memref<!tpu.dma_semaphore, #tpu.memory_space<semaphore_mem>>
      %dma_start3A_11 = tpu.memref_slice %arg6[%mul3A_2] : memref<10240xi32, #tpu.memory_space<hbm>> -> memref<320xi32, #tpu.memory_space<hbm>>
      %dma_start3A_12 = tpu.memref_slice %arg6[%mul3A_2] : memref<10240xi32, #tpu.memory_space<hbm>> -> memref<320xi32, #tpu.memory_space<hbm>>
      tpu.enqueue_dma source(%arg9 : memref<320xi32, #tpu.memory_space<vmem>>) target(%dma_start3A_12 : memref<320xi32, #tpu.memory_space<hbm>>) target_semaphore(%run_scoped3A : memref<!tpu.dma_semaphore, #tpu.memory_space<semaphore_mem>>)
      %dma_wait3A_13 = tpu.memref_slice %arg6[%mul3A_2] : memref<10240xi32, #tpu.memory_space<hbm>> -> memref<320xi32, #tpu.memory_space<hbm>>
      %dma_wait3A_14 = tpu.memref_slice %arg6[%mul3A_2] : memref<10240xi32, #tpu.memory_space<hbm>> -> memref<320xi32, #tpu.memory_space<hbm>>
      tpu.wait_dma2 semaphore(%run_scoped3A : memref<!tpu.dma_semaphore, #tpu.memory_space<semaphore_mem>>) src(%arg9 : memref<320xi32, #tpu.memory_space<vmem>>) dst(%dma_wait3A_14 : memref<320xi32, #tpu.memory_space<hbm>>)
      tpu.yield
    }) : () -> ()
    return
  }
}

module attributes {stable_mosaic.version = 14 : i64} {
  func.func @_knn_block_kernel(%arg0: i32, %arg1: memref<512x16xf32, #tpu.memory_space<vmem>>, %arg2: memref<512x1xf32, #tpu.memory_space<vmem>>, %arg3: memref<16x10240xf32, #tpu.memory_space<vmem>>, %arg4: memref<8x10240xf32, #tpu.memory_space<vmem>>, %arg5: memref<16x16xf32, #tpu.memory_space<vmem>>, %arg6: memref<512x10xf32, #tpu.memory_space<vmem>>) attributes {dimension_semantics = [#tpu.dimension_semantics<parallel>], iteration_bounds = array<i64: 16>, scalar_prefetch = 0 : i64, scratch_operands = 0 : i64, tpu.core_type = #tpu.core_type<tc>, window_params = [{transform_indices = @transform_0, window_bounds = array<i64: 512, 16>}, {transform_indices = @transform_1, window_bounds = array<i64: 512, 1>}, {pipeline_mode = #tpu.pipeline_mode<synchronous>, transform_indices = @transform_2, window_bounds = array<i64: 16, 10240>}, {pipeline_mode = #tpu.pipeline_mode<synchronous>, transform_indices = @transform_3, window_bounds = array<i64: 8, 10240>}, {pipeline_mode = #tpu.pipeline_mode<synchronous>, transform_indices = @transform_4, window_bounds = array<i64: 16, 16>}, {transform_indices = @transform_5, window_bounds = array<i64: 512, 10>}]} {
    %get3A = arith.constant 0 : index
    %get3A_0 = arith.constant 0 : index
    %get3A_1 = vector.load %arg1[%get3A, %get3A_0] : memref<512x16xf32, #tpu.memory_space<vmem>>, vector<512x16xf32>
    %get3A_2 = arith.constant 0 : index
    %get3A_3 = arith.constant 0 : index
    %get3A_4 = vector.load %arg3[%get3A_2, %get3A_3] : memref<16x10240xf32, #tpu.memory_space<vmem>>, vector<16x10240xf32>
    %get3A_5 = arith.constant 0 : index
    %get3A_6 = arith.constant 0 : index
    %get3A_7 = vector.load %arg4[%get3A_5, %get3A_6] : memref<8x10240xf32, #tpu.memory_space<vmem>>, vector<8x10240xf32>
    %get3A_8 = arith.constant 0 : index
    %get3A_9 = arith.constant 0 : index
    %get3A_10 = vector.load %arg2[%get3A_8, %get3A_9] : memref<512x1xf32, #tpu.memory_space<vmem>>, vector<512x1xf32>
    %slice3A = vector.extract_strided_slice %get3A_7 {offsets = [0, 0], sizes = [1, 10240], strides = [1, 1]} : vector<8x10240xf32> to vector<1x10240xf32>
    %slice3A_11 = vector.extract_strided_slice %get3A_7 {offsets = [1, 0], sizes = [1, 10240], strides = [1, 1]} : vector<8x10240xf32> to vector<1x10240xf32>
    %dot_general3A = arith.constant dense<0.000000e+00> : vector<512x10240xf32>
    %dot_general3A_12 = tpu.matmul %get3A_1, %get3A_4, %dot_general3A {dimension_numbers = #tpu.dot_dimension_numbers<[1], [0], [0], [1], [0, 0, 1, 1], [], []>, transpose_lhs_hint = false} : vector<512x16xf32>, vector<16x10240xf32>, vector<512x10240xf32> -> vector<512x10240xf32>
    %add3A = vector.broadcast %get3A_10 : vector<512x1xf32> to vector<512x10240xf32>
    %add3A_13 = vector.broadcast %slice3A : vector<1x10240xf32> to vector<512x10240xf32>
    %add3A_14 = arith.addf %add3A, %add3A_13 : vector<512x10240xf32>
    %add3A_15 = arith.addf %add3A_14, %dot_general3A_12 : vector<512x10240xf32>
    %slice3A_16 = vector.extract_strided_slice %add3A_15 {offsets = [0, 0], sizes = [512, 128], strides = [1, 1]} : vector<512x10240xf32> to vector<512x128xf32>
    %slice3A_17 = vector.extract_strided_slice %add3A_15 {offsets = [0, 128], sizes = [512, 128], strides = [1, 1]} : vector<512x10240xf32> to vector<512x128xf32>
    %slice3A_18 = vector.extract_strided_slice %add3A_15 {offsets = [0, 256], sizes = [512, 128], strides = [1, 1]} : vector<512x10240xf32> to vector<512x128xf32>
    %slice3A_19 = vector.extract_strided_slice %add3A_15 {offsets = [0, 384], sizes = [512, 128], strides = [1, 1]} : vector<512x10240xf32> to vector<512x128xf32>
    %slice3A_20 = vector.extract_strided_slice %add3A_15 {offsets = [0, 512], sizes = [512, 128], strides = [1, 1]} : vector<512x10240xf32> to vector<512x128xf32>
    %slice3A_21 = vector.extract_strided_slice %add3A_15 {offsets = [0, 640], sizes = [512, 128], strides = [1, 1]} : vector<512x10240xf32> to vector<512x128xf32>
    %slice3A_22 = vector.extract_strided_slice %add3A_15 {offsets = [0, 768], sizes = [512, 128], strides = [1, 1]} : vector<512x10240xf32> to vector<512x128xf32>
    %slice3A_23 = vector.extract_strided_slice %add3A_15 {offsets = [0, 896], sizes = [512, 128], strides = [1, 1]} : vector<512x10240xf32> to vector<512x128xf32>
    %min3A = arith.minimumf %slice3A_16, %slice3A_17 : vector<512x128xf32>
    %max3A = arith.maximumf %slice3A_16, %slice3A_17 : vector<512x128xf32>
    %min3A_24 = arith.minimumf %slice3A_18, %slice3A_19 : vector<512x128xf32>
    %max3A_25 = arith.maximumf %slice3A_18, %slice3A_19 : vector<512x128xf32>
    %min3A_26 = arith.minimumf %slice3A_20, %slice3A_21 : vector<512x128xf32>
    %max3A_27 = arith.maximumf %slice3A_20, %slice3A_21 : vector<512x128xf32>
    %min3A_28 = arith.minimumf %slice3A_22, %slice3A_23 : vector<512x128xf32>
    %max3A_29 = arith.maximumf %slice3A_22, %slice3A_23 : vector<512x128xf32>
    %min3A_30 = arith.minimumf %min3A, %min3A_24 : vector<512x128xf32>
    %max3A_31 = arith.maximumf %min3A, %min3A_24 : vector<512x128xf32>
    %min3A_32 = arith.minimumf %max3A, %max3A_25 : vector<512x128xf32>
    %max3A_33 = arith.maximumf %max3A, %max3A_25 : vector<512x128xf32>
    %min3A_34 = arith.minimumf %min3A_26, %min3A_28 : vector<512x128xf32>
    %max3A_35 = arith.maximumf %min3A_26, %min3A_28 : vector<512x128xf32>
    %min3A_36 = arith.minimumf %max3A_27, %max3A_29 : vector<512x128xf32>
    %max3A_37 = arith.maximumf %max3A_27, %max3A_29 : vector<512x128xf32>
    %min3A_38 = arith.minimumf %min3A_32, %max3A_31 : vector<512x128xf32>
    %max3A_39 = arith.maximumf %min3A_32, %max3A_31 : vector<512x128xf32>
    %min3A_40 = arith.minimumf %min3A_36, %max3A_35 : vector<512x128xf32>
    %max3A_41 = arith.maximumf %min3A_36, %max3A_35 : vector<512x128xf32>
    %min3A_42 = arith.minimumf %min3A_30, %min3A_34 : vector<512x128xf32>
    %max3A_43 = arith.maximumf %min3A_30, %min3A_34 : vector<512x128xf32>
    %min3A_44 = arith.minimumf %min3A_38, %min3A_40 : vector<512x128xf32>
    %max3A_45 = arith.maximumf %min3A_38, %min3A_40 : vector<512x128xf32>
    %min3A_46 = arith.minimumf %max3A_39, %max3A_41 : vector<512x128xf32>
    %min3A_47 = arith.minimumf %max3A_33, %max3A_37 : vector<512x128xf32>
    %min3A_48 = arith.minimumf %min3A_46, %max3A_43 : vector<512x128xf32>
    %max3A_49 = arith.maximumf %min3A_46, %max3A_43 : vector<512x128xf32>
    %min3A_50 = arith.minimumf %min3A_47, %max3A_45 : vector<512x128xf32>
    %min3A_51 = arith.minimumf %min3A_44, %min3A_48 : vector<512x128xf32>
    %max3A_52 = arith.maximumf %min3A_44, %min3A_48 : vector<512x128xf32>
    %min3A_53 = arith.minimumf %min3A_50, %max3A_49 : vector<512x128xf32>
    %max3A_54 = arith.maximumf %min3A_50, %max3A_49 : vector<512x128xf32>
    %slice3A_55 = vector.extract_strided_slice %add3A_15 {offsets = [0, 1024], sizes = [512, 128], strides = [1, 1]} : vector<512x10240xf32> to vector<512x128xf32>
    %slice3A_56 = vector.extract_strided_slice %add3A_15 {offsets = [0, 1152], sizes = [512, 128], strides = [1, 1]} : vector<512x10240xf32> to vector<512x128xf32>
    %slice3A_57 = vector.extract_strided_slice %add3A_15 {offsets = [0, 1280], sizes = [512, 128], strides = [1, 1]} : vector<512x10240xf32> to vector<512x128xf32>
    %slice3A_58 = vector.extract_strided_slice %add3A_15 {offsets = [0, 1408], sizes = [512, 128], strides = [1, 1]} : vector<512x10240xf32> to vector<512x128xf32>
    %slice3A_59 = vector.extract_strided_slice %add3A_15 {offsets = [0, 1536], sizes = [512, 128], strides = [1, 1]} : vector<512x10240xf32> to vector<512x128xf32>
    %slice3A_60 = vector.extract_strided_slice %add3A_15 {offsets = [0, 1664], sizes = [512, 128], strides = [1, 1]} : vector<512x10240xf32> to vector<512x128xf32>
    %slice3A_61 = vector.extract_strided_slice %add3A_15 {offsets = [0, 1792], sizes = [512, 128], strides = [1, 1]} : vector<512x10240xf32> to vector<512x128xf32>
    %slice3A_62 = vector.extract_strided_slice %add3A_15 {offsets = [0, 1920], sizes = [512, 128], strides = [1, 1]} : vector<512x10240xf32> to vector<512x128xf32>
    %min3A_63 = arith.minimumf %slice3A_55, %slice3A_56 : vector<512x128xf32>
    %max3A_64 = arith.maximumf %slice3A_55, %slice3A_56 : vector<512x128xf32>
    %min3A_65 = arith.minimumf %slice3A_57, %slice3A_58 : vector<512x128xf32>
    %max3A_66 = arith.maximumf %slice3A_57, %slice3A_58 : vector<512x128xf32>
    %min3A_67 = arith.minimumf %slice3A_59, %slice3A_60 : vector<512x128xf32>
    %max3A_68 = arith.maximumf %slice3A_59, %slice3A_60 : vector<512x128xf32>
    %min3A_69 = arith.minimumf %slice3A_61, %slice3A_62 : vector<512x128xf32>
    %max3A_70 = arith.maximumf %slice3A_61, %slice3A_62 : vector<512x128xf32>
    %min3A_71 = arith.minimumf %min3A_63, %min3A_65 : vector<512x128xf32>
    %max3A_72 = arith.maximumf %min3A_63, %min3A_65 : vector<512x128xf32>
    %min3A_73 = arith.minimumf %max3A_64, %max3A_66 : vector<512x128xf32>
    %max3A_74 = arith.maximumf %max3A_64, %max3A_66 : vector<512x128xf32>
    %min3A_75 = arith.minimumf %min3A_67, %min3A_69 : vector<512x128xf32>
    %max3A_76 = arith.maximumf %min3A_67, %min3A_69 : vector<512x128xf32>
    %min3A_77 = arith.minimumf %max3A_68, %max3A_70 : vector<512x128xf32>
    %max3A_78 = arith.maximumf %max3A_68, %max3A_70 : vector<512x128xf32>
    %min3A_79 = arith.minimumf %min3A_73, %max3A_72 : vector<512x128xf32>
    %max3A_80 = arith.maximumf %min3A_73, %max3A_72 : vector<512x128xf32>
    %min3A_81 = arith.minimumf %min3A_77, %max3A_76 : vector<512x128xf32>
    %max3A_82 = arith.maximumf %min3A_77, %max3A_76 : vector<512x128xf32>
    %min3A_83 = arith.minimumf %min3A_71, %min3A_75 : vector<512x128xf32>
    %max3A_84 = arith.maximumf %min3A_71, %min3A_75 : vector<512x128xf32>
    %min3A_85 = arith.minimumf %min3A_79, %min3A_81 : vector<512x128xf32>
    %max3A_86 = arith.maximumf %min3A_79, %min3A_81 : vector<512x128xf32>
    %min3A_87 = arith.minimumf %max3A_80, %max3A_82 : vector<512x128xf32>
    %min3A_88 = arith.minimumf %max3A_74, %max3A_78 : vector<512x128xf32>
    %min3A_89 = arith.minimumf %min3A_87, %max3A_84 : vector<512x128xf32>
    %max3A_90 = arith.maximumf %min3A_87, %max3A_84 : vector<512x128xf32>
    %min3A_91 = arith.minimumf %min3A_88, %max3A_86 : vector<512x128xf32>
    %min3A_92 = arith.minimumf %min3A_85, %min3A_89 : vector<512x128xf32>
    %max3A_93 = arith.maximumf %min3A_85, %min3A_89 : vector<512x128xf32>
    %min3A_94 = arith.minimumf %min3A_91, %max3A_90 : vector<512x128xf32>
    %max3A_95 = arith.maximumf %min3A_91, %max3A_90 : vector<512x128xf32>
    %slice3A_96 = vector.extract_strided_slice %add3A_15 {offsets = [0, 2048], sizes = [512, 128], strides = [1, 1]} : vector<512x10240xf32> to vector<512x128xf32>
    %slice3A_97 = vector.extract_strided_slice %add3A_15 {offsets = [0, 2176], sizes = [512, 128], strides = [1, 1]} : vector<512x10240xf32> to vector<512x128xf32>
    %slice3A_98 = vector.extract_strided_slice %add3A_15 {offsets = [0, 2304], sizes = [512, 128], strides = [1, 1]} : vector<512x10240xf32> to vector<512x128xf32>
    %slice3A_99 = vector.extract_strided_slice %add3A_15 {offsets = [0, 2432], sizes = [512, 128], strides = [1, 1]} : vector<512x10240xf32> to vector<512x128xf32>
    %slice3A_100 = vector.extract_strided_slice %add3A_15 {offsets = [0, 2560], sizes = [512, 128], strides = [1, 1]} : vector<512x10240xf32> to vector<512x128xf32>
    %slice3A_101 = vector.extract_strided_slice %add3A_15 {offsets = [0, 2688], sizes = [512, 128], strides = [1, 1]} : vector<512x10240xf32> to vector<512x128xf32>
    %slice3A_102 = vector.extract_strided_slice %add3A_15 {offsets = [0, 2816], sizes = [512, 128], strides = [1, 1]} : vector<512x10240xf32> to vector<512x128xf32>
    %slice3A_103 = vector.extract_strided_slice %add3A_15 {offsets = [0, 2944], sizes = [512, 128], strides = [1, 1]} : vector<512x10240xf32> to vector<512x128xf32>
    %min3A_104 = arith.minimumf %slice3A_96, %slice3A_97 : vector<512x128xf32>
    %max3A_105 = arith.maximumf %slice3A_96, %slice3A_97 : vector<512x128xf32>
    %min3A_106 = arith.minimumf %slice3A_98, %slice3A_99 : vector<512x128xf32>
    %max3A_107 = arith.maximumf %slice3A_98, %slice3A_99 : vector<512x128xf32>
    %min3A_108 = arith.minimumf %slice3A_100, %slice3A_101 : vector<512x128xf32>
    %max3A_109 = arith.maximumf %slice3A_100, %slice3A_101 : vector<512x128xf32>
    %min3A_110 = arith.minimumf %slice3A_102, %slice3A_103 : vector<512x128xf32>
    %max3A_111 = arith.maximumf %slice3A_102, %slice3A_103 : vector<512x128xf32>
    %min3A_112 = arith.minimumf %min3A_104, %min3A_106 : vector<512x128xf32>
    %max3A_113 = arith.maximumf %min3A_104, %min3A_106 : vector<512x128xf32>
    %min3A_114 = arith.minimumf %max3A_105, %max3A_107 : vector<512x128xf32>
    %max3A_115 = arith.maximumf %max3A_105, %max3A_107 : vector<512x128xf32>
    %min3A_116 = arith.minimumf %min3A_108, %min3A_110 : vector<512x128xf32>
    %max3A_117 = arith.maximumf %min3A_108, %min3A_110 : vector<512x128xf32>
    %min3A_118 = arith.minimumf %max3A_109, %max3A_111 : vector<512x128xf32>
    %max3A_119 = arith.maximumf %max3A_109, %max3A_111 : vector<512x128xf32>
    %min3A_120 = arith.minimumf %min3A_114, %max3A_113 : vector<512x128xf32>
    %max3A_121 = arith.maximumf %min3A_114, %max3A_113 : vector<512x128xf32>
    %min3A_122 = arith.minimumf %min3A_118, %max3A_117 : vector<512x128xf32>
    %max3A_123 = arith.maximumf %min3A_118, %max3A_117 : vector<512x128xf32>
    %min3A_124 = arith.minimumf %min3A_112, %min3A_116 : vector<512x128xf32>
    %max3A_125 = arith.maximumf %min3A_112, %min3A_116 : vector<512x128xf32>
    %min3A_126 = arith.minimumf %min3A_120, %min3A_122 : vector<512x128xf32>
    %max3A_127 = arith.maximumf %min3A_120, %min3A_122 : vector<512x128xf32>
    %min3A_128 = arith.minimumf %max3A_121, %max3A_123 : vector<512x128xf32>
    %min3A_129 = arith.minimumf %max3A_115, %max3A_119 : vector<512x128xf32>
    %min3A_130 = arith.minimumf %min3A_128, %max3A_125 : vector<512x128xf32>
    %max3A_131 = arith.maximumf %min3A_128, %max3A_125 : vector<512x128xf32>
    %min3A_132 = arith.minimumf %min3A_129, %max3A_127 : vector<512x128xf32>
    %min3A_133 = arith.minimumf %min3A_126, %min3A_130 : vector<512x128xf32>
    %max3A_134 = arith.maximumf %min3A_126, %min3A_130 : vector<512x128xf32>
    %min3A_135 = arith.minimumf %min3A_132, %max3A_131 : vector<512x128xf32>
    %max3A_136 = arith.maximumf %min3A_132, %max3A_131 : vector<512x128xf32>
    %slice3A_137 = vector.extract_strided_slice %add3A_15 {offsets = [0, 3072], sizes = [512, 128], strides = [1, 1]} : vector<512x10240xf32> to vector<512x128xf32>
    %slice3A_138 = vector.extract_strided_slice %add3A_15 {offsets = [0, 3200], sizes = [512, 128], strides = [1, 1]} : vector<512x10240xf32> to vector<512x128xf32>
    %slice3A_139 = vector.extract_strided_slice %add3A_15 {offsets = [0, 3328], sizes = [512, 128], strides = [1, 1]} : vector<512x10240xf32> to vector<512x128xf32>
    %slice3A_140 = vector.extract_strided_slice %add3A_15 {offsets = [0, 3456], sizes = [512, 128], strides = [1, 1]} : vector<512x10240xf32> to vector<512x128xf32>
    %slice3A_141 = vector.extract_strided_slice %add3A_15 {offsets = [0, 3584], sizes = [512, 128], strides = [1, 1]} : vector<512x10240xf32> to vector<512x128xf32>
    %slice3A_142 = vector.extract_strided_slice %add3A_15 {offsets = [0, 3712], sizes = [512, 128], strides = [1, 1]} : vector<512x10240xf32> to vector<512x128xf32>
    %slice3A_143 = vector.extract_strided_slice %add3A_15 {offsets = [0, 3840], sizes = [512, 128], strides = [1, 1]} : vector<512x10240xf32> to vector<512x128xf32>
    %slice3A_144 = vector.extract_strided_slice %add3A_15 {offsets = [0, 3968], sizes = [512, 128], strides = [1, 1]} : vector<512x10240xf32> to vector<512x128xf32>
    %min3A_145 = arith.minimumf %slice3A_137, %slice3A_138 : vector<512x128xf32>
    %max3A_146 = arith.maximumf %slice3A_137, %slice3A_138 : vector<512x128xf32>
    %min3A_147 = arith.minimumf %slice3A_139, %slice3A_140 : vector<512x128xf32>
    %max3A_148 = arith.maximumf %slice3A_139, %slice3A_140 : vector<512x128xf32>
    %min3A_149 = arith.minimumf %slice3A_141, %slice3A_142 : vector<512x128xf32>
    %max3A_150 = arith.maximumf %slice3A_141, %slice3A_142 : vector<512x128xf32>
    %min3A_151 = arith.minimumf %slice3A_143, %slice3A_144 : vector<512x128xf32>
    %max3A_152 = arith.maximumf %slice3A_143, %slice3A_144 : vector<512x128xf32>
    %min3A_153 = arith.minimumf %min3A_145, %min3A_147 : vector<512x128xf32>
    %max3A_154 = arith.maximumf %min3A_145, %min3A_147 : vector<512x128xf32>
    %min3A_155 = arith.minimumf %max3A_146, %max3A_148 : vector<512x128xf32>
    %max3A_156 = arith.maximumf %max3A_146, %max3A_148 : vector<512x128xf32>
    %min3A_157 = arith.minimumf %min3A_149, %min3A_151 : vector<512x128xf32>
    %max3A_158 = arith.maximumf %min3A_149, %min3A_151 : vector<512x128xf32>
    %min3A_159 = arith.minimumf %max3A_150, %max3A_152 : vector<512x128xf32>
    %max3A_160 = arith.maximumf %max3A_150, %max3A_152 : vector<512x128xf32>
    %min3A_161 = arith.minimumf %min3A_155, %max3A_154 : vector<512x128xf32>
    %max3A_162 = arith.maximumf %min3A_155, %max3A_154 : vector<512x128xf32>
    %min3A_163 = arith.minimumf %min3A_159, %max3A_158 : vector<512x128xf32>
    %max3A_164 = arith.maximumf %min3A_159, %max3A_158 : vector<512x128xf32>
    %min3A_165 = arith.minimumf %min3A_153, %min3A_157 : vector<512x128xf32>
    %max3A_166 = arith.maximumf %min3A_153, %min3A_157 : vector<512x128xf32>
    %min3A_167 = arith.minimumf %min3A_161, %min3A_163 : vector<512x128xf32>
    %max3A_168 = arith.maximumf %min3A_161, %min3A_163 : vector<512x128xf32>
    %min3A_169 = arith.minimumf %max3A_162, %max3A_164 : vector<512x128xf32>
    %min3A_170 = arith.minimumf %max3A_156, %max3A_160 : vector<512x128xf32>
    %min3A_171 = arith.minimumf %min3A_169, %max3A_166 : vector<512x128xf32>
    %max3A_172 = arith.maximumf %min3A_169, %max3A_166 : vector<512x128xf32>
    %min3A_173 = arith.minimumf %min3A_170, %max3A_168 : vector<512x128xf32>
    %min3A_174 = arith.minimumf %min3A_167, %min3A_171 : vector<512x128xf32>
    %max3A_175 = arith.maximumf %min3A_167, %min3A_171 : vector<512x128xf32>
    %min3A_176 = arith.minimumf %min3A_173, %max3A_172 : vector<512x128xf32>
    %max3A_177 = arith.maximumf %min3A_173, %max3A_172 : vector<512x128xf32>
    %slice3A_178 = vector.extract_strided_slice %add3A_15 {offsets = [0, 4096], sizes = [512, 128], strides = [1, 1]} : vector<512x10240xf32> to vector<512x128xf32>
    %slice3A_179 = vector.extract_strided_slice %add3A_15 {offsets = [0, 4224], sizes = [512, 128], strides = [1, 1]} : vector<512x10240xf32> to vector<512x128xf32>
    %slice3A_180 = vector.extract_strided_slice %add3A_15 {offsets = [0, 4352], sizes = [512, 128], strides = [1, 1]} : vector<512x10240xf32> to vector<512x128xf32>
    %slice3A_181 = vector.extract_strided_slice %add3A_15 {offsets = [0, 4480], sizes = [512, 128], strides = [1, 1]} : vector<512x10240xf32> to vector<512x128xf32>
    %slice3A_182 = vector.extract_strided_slice %add3A_15 {offsets = [0, 4608], sizes = [512, 128], strides = [1, 1]} : vector<512x10240xf32> to vector<512x128xf32>
    %slice3A_183 = vector.extract_strided_slice %add3A_15 {offsets = [0, 4736], sizes = [512, 128], strides = [1, 1]} : vector<512x10240xf32> to vector<512x128xf32>
    %slice3A_184 = vector.extract_strided_slice %add3A_15 {offsets = [0, 4864], sizes = [512, 128], strides = [1, 1]} : vector<512x10240xf32> to vector<512x128xf32>
    %slice3A_185 = vector.extract_strided_slice %add3A_15 {offsets = [0, 4992], sizes = [512, 128], strides = [1, 1]} : vector<512x10240xf32> to vector<512x128xf32>
    %min3A_186 = arith.minimumf %slice3A_178, %slice3A_179 : vector<512x128xf32>
    %max3A_187 = arith.maximumf %slice3A_178, %slice3A_179 : vector<512x128xf32>
    %min3A_188 = arith.minimumf %slice3A_180, %slice3A_181 : vector<512x128xf32>
    %max3A_189 = arith.maximumf %slice3A_180, %slice3A_181 : vector<512x128xf32>
    %min3A_190 = arith.minimumf %slice3A_182, %slice3A_183 : vector<512x128xf32>
    %max3A_191 = arith.maximumf %slice3A_182, %slice3A_183 : vector<512x128xf32>
    %min3A_192 = arith.minimumf %slice3A_184, %slice3A_185 : vector<512x128xf32>
    %max3A_193 = arith.maximumf %slice3A_184, %slice3A_185 : vector<512x128xf32>
    %min3A_194 = arith.minimumf %min3A_186, %min3A_188 : vector<512x128xf32>
    %max3A_195 = arith.maximumf %min3A_186, %min3A_188 : vector<512x128xf32>
    %min3A_196 = arith.minimumf %max3A_187, %max3A_189 : vector<512x128xf32>
    %max3A_197 = arith.maximumf %max3A_187, %max3A_189 : vector<512x128xf32>
    %min3A_198 = arith.minimumf %min3A_190, %min3A_192 : vector<512x128xf32>
    %max3A_199 = arith.maximumf %min3A_190, %min3A_192 : vector<512x128xf32>
    %min3A_200 = arith.minimumf %max3A_191, %max3A_193 : vector<512x128xf32>
    %max3A_201 = arith.maximumf %max3A_191, %max3A_193 : vector<512x128xf32>
    %min3A_202 = arith.minimumf %min3A_196, %max3A_195 : vector<512x128xf32>
    %max3A_203 = arith.maximumf %min3A_196, %max3A_195 : vector<512x128xf32>
    %min3A_204 = arith.minimumf %min3A_200, %max3A_199 : vector<512x128xf32>
    %max3A_205 = arith.maximumf %min3A_200, %max3A_199 : vector<512x128xf32>
    %min3A_206 = arith.minimumf %min3A_194, %min3A_198 : vector<512x128xf32>
    %max3A_207 = arith.maximumf %min3A_194, %min3A_198 : vector<512x128xf32>
    %min3A_208 = arith.minimumf %min3A_202, %min3A_204 : vector<512x128xf32>
    %max3A_209 = arith.maximumf %min3A_202, %min3A_204 : vector<512x128xf32>
    %min3A_210 = arith.minimumf %max3A_203, %max3A_205 : vector<512x128xf32>
    %min3A_211 = arith.minimumf %max3A_197, %max3A_201 : vector<512x128xf32>
    %min3A_212 = arith.minimumf %min3A_210, %max3A_207 : vector<512x128xf32>
    %max3A_213 = arith.maximumf %min3A_210, %max3A_207 : vector<512x128xf32>
    %min3A_214 = arith.minimumf %min3A_211, %max3A_209 : vector<512x128xf32>
    %min3A_215 = arith.minimumf %min3A_208, %min3A_212 : vector<512x128xf32>
    %max3A_216 = arith.maximumf %min3A_208, %min3A_212 : vector<512x128xf32>
    %min3A_217 = arith.minimumf %min3A_214, %max3A_213 : vector<512x128xf32>
    %max3A_218 = arith.maximumf %min3A_214, %max3A_213 : vector<512x128xf32>
    %slice3A_219 = vector.extract_strided_slice %add3A_15 {offsets = [0, 5120], sizes = [512, 128], strides = [1, 1]} : vector<512x10240xf32> to vector<512x128xf32>
    %slice3A_220 = vector.extract_strided_slice %add3A_15 {offsets = [0, 5248], sizes = [512, 128], strides = [1, 1]} : vector<512x10240xf32> to vector<512x128xf32>
    %slice3A_221 = vector.extract_strided_slice %add3A_15 {offsets = [0, 5376], sizes = [512, 128], strides = [1, 1]} : vector<512x10240xf32> to vector<512x128xf32>
    %slice3A_222 = vector.extract_strided_slice %add3A_15 {offsets = [0, 5504], sizes = [512, 128], strides = [1, 1]} : vector<512x10240xf32> to vector<512x128xf32>
    %slice3A_223 = vector.extract_strided_slice %add3A_15 {offsets = [0, 5632], sizes = [512, 128], strides = [1, 1]} : vector<512x10240xf32> to vector<512x128xf32>
    %slice3A_224 = vector.extract_strided_slice %add3A_15 {offsets = [0, 5760], sizes = [512, 128], strides = [1, 1]} : vector<512x10240xf32> to vector<512x128xf32>
    %slice3A_225 = vector.extract_strided_slice %add3A_15 {offsets = [0, 5888], sizes = [512, 128], strides = [1, 1]} : vector<512x10240xf32> to vector<512x128xf32>
    %slice3A_226 = vector.extract_strided_slice %add3A_15 {offsets = [0, 6016], sizes = [512, 128], strides = [1, 1]} : vector<512x10240xf32> to vector<512x128xf32>
    %min3A_227 = arith.minimumf %slice3A_219, %slice3A_220 : vector<512x128xf32>
    %max3A_228 = arith.maximumf %slice3A_219, %slice3A_220 : vector<512x128xf32>
    %min3A_229 = arith.minimumf %slice3A_221, %slice3A_222 : vector<512x128xf32>
    %max3A_230 = arith.maximumf %slice3A_221, %slice3A_222 : vector<512x128xf32>
    %min3A_231 = arith.minimumf %slice3A_223, %slice3A_224 : vector<512x128xf32>
    %max3A_232 = arith.maximumf %slice3A_223, %slice3A_224 : vector<512x128xf32>
    %min3A_233 = arith.minimumf %slice3A_225, %slice3A_226 : vector<512x128xf32>
    %max3A_234 = arith.maximumf %slice3A_225, %slice3A_226 : vector<512x128xf32>
    %min3A_235 = arith.minimumf %min3A_227, %min3A_229 : vector<512x128xf32>
    %max3A_236 = arith.maximumf %min3A_227, %min3A_229 : vector<512x128xf32>
    %min3A_237 = arith.minimumf %max3A_228, %max3A_230 : vector<512x128xf32>
    %max3A_238 = arith.maximumf %max3A_228, %max3A_230 : vector<512x128xf32>
    %min3A_239 = arith.minimumf %min3A_231, %min3A_233 : vector<512x128xf32>
    %max3A_240 = arith.maximumf %min3A_231, %min3A_233 : vector<512x128xf32>
    %min3A_241 = arith.minimumf %max3A_232, %max3A_234 : vector<512x128xf32>
    %max3A_242 = arith.maximumf %max3A_232, %max3A_234 : vector<512x128xf32>
    %min3A_243 = arith.minimumf %min3A_237, %max3A_236 : vector<512x128xf32>
    %max3A_244 = arith.maximumf %min3A_237, %max3A_236 : vector<512x128xf32>
    %min3A_245 = arith.minimumf %min3A_241, %max3A_240 : vector<512x128xf32>
    %max3A_246 = arith.maximumf %min3A_241, %max3A_240 : vector<512x128xf32>
    %min3A_247 = arith.minimumf %min3A_235, %min3A_239 : vector<512x128xf32>
    %max3A_248 = arith.maximumf %min3A_235, %min3A_239 : vector<512x128xf32>
    %min3A_249 = arith.minimumf %min3A_243, %min3A_245 : vector<512x128xf32>
    %max3A_250 = arith.maximumf %min3A_243, %min3A_245 : vector<512x128xf32>
    %min3A_251 = arith.minimumf %max3A_244, %max3A_246 : vector<512x128xf32>
    %min3A_252 = arith.minimumf %max3A_238, %max3A_242 : vector<512x128xf32>
    %min3A_253 = arith.minimumf %min3A_251, %max3A_248 : vector<512x128xf32>
    %max3A_254 = arith.maximumf %min3A_251, %max3A_248 : vector<512x128xf32>
    %min3A_255 = arith.minimumf %min3A_252, %max3A_250 : vector<512x128xf32>
    %min3A_256 = arith.minimumf %min3A_249, %min3A_253 : vector<512x128xf32>
    %max3A_257 = arith.maximumf %min3A_249, %min3A_253 : vector<512x128xf32>
    %min3A_258 = arith.minimumf %min3A_255, %max3A_254 : vector<512x128xf32>
    %max3A_259 = arith.maximumf %min3A_255, %max3A_254 : vector<512x128xf32>
    %slice3A_260 = vector.extract_strided_slice %add3A_15 {offsets = [0, 6144], sizes = [512, 128], strides = [1, 1]} : vector<512x10240xf32> to vector<512x128xf32>
    %slice3A_261 = vector.extract_strided_slice %add3A_15 {offsets = [0, 6272], sizes = [512, 128], strides = [1, 1]} : vector<512x10240xf32> to vector<512x128xf32>
    %slice3A_262 = vector.extract_strided_slice %add3A_15 {offsets = [0, 6400], sizes = [512, 128], strides = [1, 1]} : vector<512x10240xf32> to vector<512x128xf32>
    %slice3A_263 = vector.extract_strided_slice %add3A_15 {offsets = [0, 6528], sizes = [512, 128], strides = [1, 1]} : vector<512x10240xf32> to vector<512x128xf32>
    %slice3A_264 = vector.extract_strided_slice %add3A_15 {offsets = [0, 6656], sizes = [512, 128], strides = [1, 1]} : vector<512x10240xf32> to vector<512x128xf32>
    %slice3A_265 = vector.extract_strided_slice %add3A_15 {offsets = [0, 6784], sizes = [512, 128], strides = [1, 1]} : vector<512x10240xf32> to vector<512x128xf32>
    %slice3A_266 = vector.extract_strided_slice %add3A_15 {offsets = [0, 6912], sizes = [512, 128], strides = [1, 1]} : vector<512x10240xf32> to vector<512x128xf32>
    %slice3A_267 = vector.extract_strided_slice %add3A_15 {offsets = [0, 7040], sizes = [512, 128], strides = [1, 1]} : vector<512x10240xf32> to vector<512x128xf32>
    %min3A_268 = arith.minimumf %slice3A_260, %slice3A_261 : vector<512x128xf32>
    %max3A_269 = arith.maximumf %slice3A_260, %slice3A_261 : vector<512x128xf32>
    %min3A_270 = arith.minimumf %slice3A_262, %slice3A_263 : vector<512x128xf32>
    %max3A_271 = arith.maximumf %slice3A_262, %slice3A_263 : vector<512x128xf32>
    %min3A_272 = arith.minimumf %slice3A_264, %slice3A_265 : vector<512x128xf32>
    %max3A_273 = arith.maximumf %slice3A_264, %slice3A_265 : vector<512x128xf32>
    %min3A_274 = arith.minimumf %slice3A_266, %slice3A_267 : vector<512x128xf32>
    %max3A_275 = arith.maximumf %slice3A_266, %slice3A_267 : vector<512x128xf32>
    %min3A_276 = arith.minimumf %min3A_268, %min3A_270 : vector<512x128xf32>
    %max3A_277 = arith.maximumf %min3A_268, %min3A_270 : vector<512x128xf32>
    %min3A_278 = arith.minimumf %max3A_269, %max3A_271 : vector<512x128xf32>
    %max3A_279 = arith.maximumf %max3A_269, %max3A_271 : vector<512x128xf32>
    %min3A_280 = arith.minimumf %min3A_272, %min3A_274 : vector<512x128xf32>
    %max3A_281 = arith.maximumf %min3A_272, %min3A_274 : vector<512x128xf32>
    %min3A_282 = arith.minimumf %max3A_273, %max3A_275 : vector<512x128xf32>
    %max3A_283 = arith.maximumf %max3A_273, %max3A_275 : vector<512x128xf32>
    %min3A_284 = arith.minimumf %min3A_278, %max3A_277 : vector<512x128xf32>
    %max3A_285 = arith.maximumf %min3A_278, %max3A_277 : vector<512x128xf32>
    %min3A_286 = arith.minimumf %min3A_282, %max3A_281 : vector<512x128xf32>
    %max3A_287 = arith.maximumf %min3A_282, %max3A_281 : vector<512x128xf32>
    %min3A_288 = arith.minimumf %min3A_276, %min3A_280 : vector<512x128xf32>
    %max3A_289 = arith.maximumf %min3A_276, %min3A_280 : vector<512x128xf32>
    %min3A_290 = arith.minimumf %min3A_284, %min3A_286 : vector<512x128xf32>
    %max3A_291 = arith.maximumf %min3A_284, %min3A_286 : vector<512x128xf32>
    %min3A_292 = arith.minimumf %max3A_285, %max3A_287 : vector<512x128xf32>
    %min3A_293 = arith.minimumf %max3A_279, %max3A_283 : vector<512x128xf32>
    %min3A_294 = arith.minimumf %min3A_292, %max3A_289 : vector<512x128xf32>
    %max3A_295 = arith.maximumf %min3A_292, %max3A_289 : vector<512x128xf32>
    %min3A_296 = arith.minimumf %min3A_293, %max3A_291 : vector<512x128xf32>
    %min3A_297 = arith.minimumf %min3A_290, %min3A_294 : vector<512x128xf32>
    %max3A_298 = arith.maximumf %min3A_290, %min3A_294 : vector<512x128xf32>
    %min3A_299 = arith.minimumf %min3A_296, %max3A_295 : vector<512x128xf32>
    %max3A_300 = arith.maximumf %min3A_296, %max3A_295 : vector<512x128xf32>
    %slice3A_301 = vector.extract_strided_slice %add3A_15 {offsets = [0, 7168], sizes = [512, 128], strides = [1, 1]} : vector<512x10240xf32> to vector<512x128xf32>
    %slice3A_302 = vector.extract_strided_slice %add3A_15 {offsets = [0, 7296], sizes = [512, 128], strides = [1, 1]} : vector<512x10240xf32> to vector<512x128xf32>
    %slice3A_303 = vector.extract_strided_slice %add3A_15 {offsets = [0, 7424], sizes = [512, 128], strides = [1, 1]} : vector<512x10240xf32> to vector<512x128xf32>
    %slice3A_304 = vector.extract_strided_slice %add3A_15 {offsets = [0, 7552], sizes = [512, 128], strides = [1, 1]} : vector<512x10240xf32> to vector<512x128xf32>
    %slice3A_305 = vector.extract_strided_slice %add3A_15 {offsets = [0, 7680], sizes = [512, 128], strides = [1, 1]} : vector<512x10240xf32> to vector<512x128xf32>
    %slice3A_306 = vector.extract_strided_slice %add3A_15 {offsets = [0, 7808], sizes = [512, 128], strides = [1, 1]} : vector<512x10240xf32> to vector<512x128xf32>
    %slice3A_307 = vector.extract_strided_slice %add3A_15 {offsets = [0, 7936], sizes = [512, 128], strides = [1, 1]} : vector<512x10240xf32> to vector<512x128xf32>
    %slice3A_308 = vector.extract_strided_slice %add3A_15 {offsets = [0, 8064], sizes = [512, 128], strides = [1, 1]} : vector<512x10240xf32> to vector<512x128xf32>
    %min3A_309 = arith.minimumf %slice3A_301, %slice3A_302 : vector<512x128xf32>
    %max3A_310 = arith.maximumf %slice3A_301, %slice3A_302 : vector<512x128xf32>
    %min3A_311 = arith.minimumf %slice3A_303, %slice3A_304 : vector<512x128xf32>
    %max3A_312 = arith.maximumf %slice3A_303, %slice3A_304 : vector<512x128xf32>
    %min3A_313 = arith.minimumf %slice3A_305, %slice3A_306 : vector<512x128xf32>
    %max3A_314 = arith.maximumf %slice3A_305, %slice3A_306 : vector<512x128xf32>
    %min3A_315 = arith.minimumf %slice3A_307, %slice3A_308 : vector<512x128xf32>
    %max3A_316 = arith.maximumf %slice3A_307, %slice3A_308 : vector<512x128xf32>
    %min3A_317 = arith.minimumf %min3A_309, %min3A_311 : vector<512x128xf32>
    %max3A_318 = arith.maximumf %min3A_309, %min3A_311 : vector<512x128xf32>
    %min3A_319 = arith.minimumf %max3A_310, %max3A_312 : vector<512x128xf32>
    %max3A_320 = arith.maximumf %max3A_310, %max3A_312 : vector<512x128xf32>
    %min3A_321 = arith.minimumf %min3A_313, %min3A_315 : vector<512x128xf32>
    %max3A_322 = arith.maximumf %min3A_313, %min3A_315 : vector<512x128xf32>
    %min3A_323 = arith.minimumf %max3A_314, %max3A_316 : vector<512x128xf32>
    %max3A_324 = arith.maximumf %max3A_314, %max3A_316 : vector<512x128xf32>
    %min3A_325 = arith.minimumf %min3A_319, %max3A_318 : vector<512x128xf32>
    %max3A_326 = arith.maximumf %min3A_319, %max3A_318 : vector<512x128xf32>
    %min3A_327 = arith.minimumf %min3A_323, %max3A_322 : vector<512x128xf32>
    %max3A_328 = arith.maximumf %min3A_323, %max3A_322 : vector<512x128xf32>
    %min3A_329 = arith.minimumf %min3A_317, %min3A_321 : vector<512x128xf32>
    %max3A_330 = arith.maximumf %min3A_317, %min3A_321 : vector<512x128xf32>
    %min3A_331 = arith.minimumf %min3A_325, %min3A_327 : vector<512x128xf32>
    %max3A_332 = arith.maximumf %min3A_325, %min3A_327 : vector<512x128xf32>
    %min3A_333 = arith.minimumf %max3A_326, %max3A_328 : vector<512x128xf32>
    %min3A_334 = arith.minimumf %max3A_320, %max3A_324 : vector<512x128xf32>
    %min3A_335 = arith.minimumf %min3A_333, %max3A_330 : vector<512x128xf32>
    %max3A_336 = arith.maximumf %min3A_333, %max3A_330 : vector<512x128xf32>
    %min3A_337 = arith.minimumf %min3A_334, %max3A_332 : vector<512x128xf32>
    %min3A_338 = arith.minimumf %min3A_331, %min3A_335 : vector<512x128xf32>
    %max3A_339 = arith.maximumf %min3A_331, %min3A_335 : vector<512x128xf32>
    %min3A_340 = arith.minimumf %min3A_337, %max3A_336 : vector<512x128xf32>
    %max3A_341 = arith.maximumf %min3A_337, %max3A_336 : vector<512x128xf32>
    %slice3A_342 = vector.extract_strided_slice %add3A_15 {offsets = [0, 8192], sizes = [512, 128], strides = [1, 1]} : vector<512x10240xf32> to vector<512x128xf32>
    %slice3A_343 = vector.extract_strided_slice %add3A_15 {offsets = [0, 8320], sizes = [512, 128], strides = [1, 1]} : vector<512x10240xf32> to vector<512x128xf32>
    %slice3A_344 = vector.extract_strided_slice %add3A_15 {offsets = [0, 8448], sizes = [512, 128], strides = [1, 1]} : vector<512x10240xf32> to vector<512x128xf32>
    %slice3A_345 = vector.extract_strided_slice %add3A_15 {offsets = [0, 8576], sizes = [512, 128], strides = [1, 1]} : vector<512x10240xf32> to vector<512x128xf32>
    %slice3A_346 = vector.extract_strided_slice %add3A_15 {offsets = [0, 8704], sizes = [512, 128], strides = [1, 1]} : vector<512x10240xf32> to vector<512x128xf32>
    %slice3A_347 = vector.extract_strided_slice %add3A_15 {offsets = [0, 8832], sizes = [512, 128], strides = [1, 1]} : vector<512x10240xf32> to vector<512x128xf32>
    %slice3A_348 = vector.extract_strided_slice %add3A_15 {offsets = [0, 8960], sizes = [512, 128], strides = [1, 1]} : vector<512x10240xf32> to vector<512x128xf32>
    %slice3A_349 = vector.extract_strided_slice %add3A_15 {offsets = [0, 9088], sizes = [512, 128], strides = [1, 1]} : vector<512x10240xf32> to vector<512x128xf32>
    %min3A_350 = arith.minimumf %slice3A_342, %slice3A_343 : vector<512x128xf32>
    %max3A_351 = arith.maximumf %slice3A_342, %slice3A_343 : vector<512x128xf32>
    %min3A_352 = arith.minimumf %slice3A_344, %slice3A_345 : vector<512x128xf32>
    %max3A_353 = arith.maximumf %slice3A_344, %slice3A_345 : vector<512x128xf32>
    %min3A_354 = arith.minimumf %slice3A_346, %slice3A_347 : vector<512x128xf32>
    %max3A_355 = arith.maximumf %slice3A_346, %slice3A_347 : vector<512x128xf32>
    %min3A_356 = arith.minimumf %slice3A_348, %slice3A_349 : vector<512x128xf32>
    %max3A_357 = arith.maximumf %slice3A_348, %slice3A_349 : vector<512x128xf32>
    %min3A_358 = arith.minimumf %min3A_350, %min3A_352 : vector<512x128xf32>
    %max3A_359 = arith.maximumf %min3A_350, %min3A_352 : vector<512x128xf32>
    %min3A_360 = arith.minimumf %max3A_351, %max3A_353 : vector<512x128xf32>
    %max3A_361 = arith.maximumf %max3A_351, %max3A_353 : vector<512x128xf32>
    %min3A_362 = arith.minimumf %min3A_354, %min3A_356 : vector<512x128xf32>
    %max3A_363 = arith.maximumf %min3A_354, %min3A_356 : vector<512x128xf32>
    %min3A_364 = arith.minimumf %max3A_355, %max3A_357 : vector<512x128xf32>
    %max3A_365 = arith.maximumf %max3A_355, %max3A_357 : vector<512x128xf32>
    %min3A_366 = arith.minimumf %min3A_360, %max3A_359 : vector<512x128xf32>
    %max3A_367 = arith.maximumf %min3A_360, %max3A_359 : vector<512x128xf32>
    %min3A_368 = arith.minimumf %min3A_364, %max3A_363 : vector<512x128xf32>
    %max3A_369 = arith.maximumf %min3A_364, %max3A_363 : vector<512x128xf32>
    %min3A_370 = arith.minimumf %min3A_358, %min3A_362 : vector<512x128xf32>
    %max3A_371 = arith.maximumf %min3A_358, %min3A_362 : vector<512x128xf32>
    %min3A_372 = arith.minimumf %min3A_366, %min3A_368 : vector<512x128xf32>
    %max3A_373 = arith.maximumf %min3A_366, %min3A_368 : vector<512x128xf32>
    %min3A_374 = arith.minimumf %max3A_367, %max3A_369 : vector<512x128xf32>
    %min3A_375 = arith.minimumf %max3A_361, %max3A_365 : vector<512x128xf32>
    %min3A_376 = arith.minimumf %min3A_374, %max3A_371 : vector<512x128xf32>
    %max3A_377 = arith.maximumf %min3A_374, %max3A_371 : vector<512x128xf32>
    %min3A_378 = arith.minimumf %min3A_375, %max3A_373 : vector<512x128xf32>
    %min3A_379 = arith.minimumf %min3A_372, %min3A_376 : vector<512x128xf32>
    %max3A_380 = arith.maximumf %min3A_372, %min3A_376 : vector<512x128xf32>
    %min3A_381 = arith.minimumf %min3A_378, %max3A_377 : vector<512x128xf32>
    %max3A_382 = arith.maximumf %min3A_378, %max3A_377 : vector<512x128xf32>
    %slice3A_383 = vector.extract_strided_slice %add3A_15 {offsets = [0, 9216], sizes = [512, 128], strides = [1, 1]} : vector<512x10240xf32> to vector<512x128xf32>
    %slice3A_384 = vector.extract_strided_slice %add3A_15 {offsets = [0, 9344], sizes = [512, 128], strides = [1, 1]} : vector<512x10240xf32> to vector<512x128xf32>
    %slice3A_385 = vector.extract_strided_slice %add3A_15 {offsets = [0, 9472], sizes = [512, 128], strides = [1, 1]} : vector<512x10240xf32> to vector<512x128xf32>
    %slice3A_386 = vector.extract_strided_slice %add3A_15 {offsets = [0, 9600], sizes = [512, 128], strides = [1, 1]} : vector<512x10240xf32> to vector<512x128xf32>
    %slice3A_387 = vector.extract_strided_slice %add3A_15 {offsets = [0, 9728], sizes = [512, 128], strides = [1, 1]} : vector<512x10240xf32> to vector<512x128xf32>
    %slice3A_388 = vector.extract_strided_slice %add3A_15 {offsets = [0, 9856], sizes = [512, 128], strides = [1, 1]} : vector<512x10240xf32> to vector<512x128xf32>
    %slice3A_389 = vector.extract_strided_slice %add3A_15 {offsets = [0, 9984], sizes = [512, 128], strides = [1, 1]} : vector<512x10240xf32> to vector<512x128xf32>
    %slice3A_390 = vector.extract_strided_slice %add3A_15 {offsets = [0, 10112], sizes = [512, 128], strides = [1, 1]} : vector<512x10240xf32> to vector<512x128xf32>
    %min3A_391 = arith.minimumf %slice3A_383, %slice3A_384 : vector<512x128xf32>
    %max3A_392 = arith.maximumf %slice3A_383, %slice3A_384 : vector<512x128xf32>
    %min3A_393 = arith.minimumf %slice3A_385, %slice3A_386 : vector<512x128xf32>
    %max3A_394 = arith.maximumf %slice3A_385, %slice3A_386 : vector<512x128xf32>
    %min3A_395 = arith.minimumf %slice3A_387, %slice3A_388 : vector<512x128xf32>
    %max3A_396 = arith.maximumf %slice3A_387, %slice3A_388 : vector<512x128xf32>
    %min3A_397 = arith.minimumf %slice3A_389, %slice3A_390 : vector<512x128xf32>
    %max3A_398 = arith.maximumf %slice3A_389, %slice3A_390 : vector<512x128xf32>
    %min3A_399 = arith.minimumf %min3A_391, %min3A_393 : vector<512x128xf32>
    %max3A_400 = arith.maximumf %min3A_391, %min3A_393 : vector<512x128xf32>
    %min3A_401 = arith.minimumf %max3A_392, %max3A_394 : vector<512x128xf32>
    %max3A_402 = arith.maximumf %max3A_392, %max3A_394 : vector<512x128xf32>
    %min3A_403 = arith.minimumf %min3A_395, %min3A_397 : vector<512x128xf32>
    %max3A_404 = arith.maximumf %min3A_395, %min3A_397 : vector<512x128xf32>
    %min3A_405 = arith.minimumf %max3A_396, %max3A_398 : vector<512x128xf32>
    %max3A_406 = arith.maximumf %max3A_396, %max3A_398 : vector<512x128xf32>
    %min3A_407 = arith.minimumf %min3A_401, %max3A_400 : vector<512x128xf32>
    %max3A_408 = arith.maximumf %min3A_401, %max3A_400 : vector<512x128xf32>
    %min3A_409 = arith.minimumf %min3A_405, %max3A_404 : vector<512x128xf32>
    %max3A_410 = arith.maximumf %min3A_405, %max3A_404 : vector<512x128xf32>
    %min3A_411 = arith.minimumf %min3A_399, %min3A_403 : vector<512x128xf32>
    %max3A_412 = arith.maximumf %min3A_399, %min3A_403 : vector<512x128xf32>
    %min3A_413 = arith.minimumf %min3A_407, %min3A_409 : vector<512x128xf32>
    %max3A_414 = arith.maximumf %min3A_407, %min3A_409 : vector<512x128xf32>
    %min3A_415 = arith.minimumf %max3A_408, %max3A_410 : vector<512x128xf32>
    %min3A_416 = arith.minimumf %max3A_402, %max3A_406 : vector<512x128xf32>
    %min3A_417 = arith.minimumf %min3A_415, %max3A_412 : vector<512x128xf32>
    %max3A_418 = arith.maximumf %min3A_415, %max3A_412 : vector<512x128xf32>
    %min3A_419 = arith.minimumf %min3A_416, %max3A_414 : vector<512x128xf32>
    %min3A_420 = arith.minimumf %min3A_413, %min3A_417 : vector<512x128xf32>
    %max3A_421 = arith.maximumf %min3A_413, %min3A_417 : vector<512x128xf32>
    %min3A_422 = arith.minimumf %min3A_419, %max3A_418 : vector<512x128xf32>
    %max3A_423 = arith.maximumf %min3A_419, %max3A_418 : vector<512x128xf32>
    %min3A_424 = arith.minimumf %min3A_42, %max3A_95 : vector<512x128xf32>
    %min3A_425 = arith.minimumf %min3A_51, %min3A_94 : vector<512x128xf32>
    %min3A_426 = arith.minimumf %max3A_52, %max3A_93 : vector<512x128xf32>
    %min3A_427 = arith.minimumf %min3A_53, %min3A_92 : vector<512x128xf32>
    %min3A_428 = arith.minimumf %max3A_54, %min3A_83 : vector<512x128xf32>
    %min3A_429 = arith.minimumf %min3A_424, %min3A_428 : vector<512x128xf32>
    %max3A_430 = arith.maximumf %min3A_424, %min3A_428 : vector<512x128xf32>
    %min3A_431 = arith.minimumf %min3A_429, %min3A_426 : vector<512x128xf32>
    %max3A_432 = arith.maximumf %min3A_429, %min3A_426 : vector<512x128xf32>
    %min3A_433 = arith.minimumf %min3A_425, %min3A_427 : vector<512x128xf32>
    %max3A_434 = arith.maximumf %min3A_425, %min3A_427 : vector<512x128xf32>
    %min3A_435 = arith.minimumf %min3A_431, %min3A_433 : vector<512x128xf32>
    %max3A_436 = arith.maximumf %min3A_431, %min3A_433 : vector<512x128xf32>
    %min3A_437 = arith.minimumf %max3A_432, %max3A_434 : vector<512x128xf32>
    %max3A_438 = arith.maximumf %max3A_432, %max3A_434 : vector<512x128xf32>
    %min3A_439 = arith.minimumf %min3A_124, %max3A_177 : vector<512x128xf32>
    %min3A_440 = arith.minimumf %min3A_133, %min3A_176 : vector<512x128xf32>
    %min3A_441 = arith.minimumf %max3A_134, %max3A_175 : vector<512x128xf32>
    %min3A_442 = arith.minimumf %min3A_135, %min3A_174 : vector<512x128xf32>
    %min3A_443 = arith.minimumf %max3A_136, %min3A_165 : vector<512x128xf32>
    %min3A_444 = arith.minimumf %min3A_439, %min3A_443 : vector<512x128xf32>
    %max3A_445 = arith.maximumf %min3A_439, %min3A_443 : vector<512x128xf32>
    %min3A_446 = arith.minimumf %min3A_444, %min3A_441 : vector<512x128xf32>
    %max3A_447 = arith.maximumf %min3A_444, %min3A_441 : vector<512x128xf32>
    %min3A_448 = arith.minimumf %min3A_440, %min3A_442 : vector<512x128xf32>
    %max3A_449 = arith.maximumf %min3A_440, %min3A_442 : vector<512x128xf32>
    %min3A_450 = arith.minimumf %min3A_446, %min3A_448 : vector<512x128xf32>
    %max3A_451 = arith.maximumf %min3A_446, %min3A_448 : vector<512x128xf32>
    %min3A_452 = arith.minimumf %max3A_447, %max3A_449 : vector<512x128xf32>
    %max3A_453 = arith.maximumf %max3A_447, %max3A_449 : vector<512x128xf32>
    %min3A_454 = arith.minimumf %min3A_206, %max3A_259 : vector<512x128xf32>
    %min3A_455 = arith.minimumf %min3A_215, %min3A_258 : vector<512x128xf32>
    %min3A_456 = arith.minimumf %max3A_216, %max3A_257 : vector<512x128xf32>
    %min3A_457 = arith.minimumf %min3A_217, %min3A_256 : vector<512x128xf32>
    %min3A_458 = arith.minimumf %max3A_218, %min3A_247 : vector<512x128xf32>
    %min3A_459 = arith.minimumf %min3A_454, %min3A_458 : vector<512x128xf32>
    %max3A_460 = arith.maximumf %min3A_454, %min3A_458 : vector<512x128xf32>
    %min3A_461 = arith.minimumf %min3A_459, %min3A_456 : vector<512x128xf32>
    %max3A_462 = arith.maximumf %min3A_459, %min3A_456 : vector<512x128xf32>
    %min3A_463 = arith.minimumf %min3A_455, %min3A_457 : vector<512x128xf32>
    %max3A_464 = arith.maximumf %min3A_455, %min3A_457 : vector<512x128xf32>
    %min3A_465 = arith.minimumf %min3A_461, %min3A_463 : vector<512x128xf32>
    %max3A_466 = arith.maximumf %min3A_461, %min3A_463 : vector<512x128xf32>
    %min3A_467 = arith.minimumf %max3A_462, %max3A_464 : vector<512x128xf32>
    %max3A_468 = arith.maximumf %max3A_462, %max3A_464 : vector<512x128xf32>
    %min3A_469 = arith.minimumf %min3A_288, %max3A_341 : vector<512x128xf32>
    %min3A_470 = arith.minimumf %min3A_297, %min3A_340 : vector<512x128xf32>
    %min3A_471 = arith.minimumf %max3A_298, %max3A_339 : vector<512x128xf32>
    %min3A_472 = arith.minimumf %min3A_299, %min3A_338 : vector<512x128xf32>
    %min3A_473 = arith.minimumf %max3A_300, %min3A_329 : vector<512x128xf32>
    %min3A_474 = arith.minimumf %min3A_469, %min3A_473 : vector<512x128xf32>
    %max3A_475 = arith.maximumf %min3A_469, %min3A_473 : vector<512x128xf32>
    %min3A_476 = arith.minimumf %min3A_474, %min3A_471 : vector<512x128xf32>
    %max3A_477 = arith.maximumf %min3A_474, %min3A_471 : vector<512x128xf32>
    %min3A_478 = arith.minimumf %min3A_470, %min3A_472 : vector<512x128xf32>
    %max3A_479 = arith.maximumf %min3A_470, %min3A_472 : vector<512x128xf32>
    %min3A_480 = arith.minimumf %min3A_476, %min3A_478 : vector<512x128xf32>
    %max3A_481 = arith.maximumf %min3A_476, %min3A_478 : vector<512x128xf32>
    %min3A_482 = arith.minimumf %max3A_477, %max3A_479 : vector<512x128xf32>
    %max3A_483 = arith.maximumf %max3A_477, %max3A_479 : vector<512x128xf32>
    %min3A_484 = arith.minimumf %min3A_370, %max3A_423 : vector<512x128xf32>
    %min3A_485 = arith.minimumf %min3A_379, %min3A_422 : vector<512x128xf32>
    %min3A_486 = arith.minimumf %max3A_380, %max3A_421 : vector<512x128xf32>
    %min3A_487 = arith.minimumf %min3A_381, %min3A_420 : vector<512x128xf32>
    %min3A_488 = arith.minimumf %max3A_382, %min3A_411 : vector<512x128xf32>
    %min3A_489 = arith.minimumf %min3A_484, %min3A_488 : vector<512x128xf32>
    %max3A_490 = arith.maximumf %min3A_484, %min3A_488 : vector<512x128xf32>
    %min3A_491 = arith.minimumf %min3A_489, %min3A_486 : vector<512x128xf32>
    %max3A_492 = arith.maximumf %min3A_489, %min3A_486 : vector<512x128xf32>
    %min3A_493 = arith.minimumf %min3A_485, %min3A_487 : vector<512x128xf32>
    %max3A_494 = arith.maximumf %min3A_485, %min3A_487 : vector<512x128xf32>
    %min3A_495 = arith.minimumf %min3A_491, %min3A_493 : vector<512x128xf32>
    %max3A_496 = arith.maximumf %min3A_491, %min3A_493 : vector<512x128xf32>
    %min3A_497 = arith.minimumf %max3A_492, %max3A_494 : vector<512x128xf32>
    %max3A_498 = arith.maximumf %max3A_492, %max3A_494 : vector<512x128xf32>
    %min3A_499 = arith.minimumf %min3A_435, %max3A_445 : vector<512x128xf32>
    %min3A_500 = arith.minimumf %max3A_436, %max3A_453 : vector<512x128xf32>
    %min3A_501 = arith.minimumf %min3A_437, %min3A_452 : vector<512x128xf32>
    %min3A_502 = arith.minimumf %max3A_438, %max3A_451 : vector<512x128xf32>
    %min3A_503 = arith.minimumf %max3A_430, %min3A_450 : vector<512x128xf32>
    %min3A_504 = arith.minimumf %min3A_499, %min3A_503 : vector<512x128xf32>
    %max3A_505 = arith.maximumf %min3A_499, %min3A_503 : vector<512x128xf32>
    %min3A_506 = arith.minimumf %min3A_504, %min3A_501 : vector<512x128xf32>
    %max3A_507 = arith.maximumf %min3A_504, %min3A_501 : vector<512x128xf32>
    %min3A_508 = arith.minimumf %min3A_500, %min3A_502 : vector<512x128xf32>
    %max3A_509 = arith.maximumf %min3A_500, %min3A_502 : vector<512x128xf32>
    %min3A_510 = arith.minimumf %min3A_506, %min3A_508 : vector<512x128xf32>
    %max3A_511 = arith.maximumf %min3A_506, %min3A_508 : vector<512x128xf32>
    %min3A_512 = arith.minimumf %max3A_507, %max3A_509 : vector<512x128xf32>
    %max3A_513 = arith.maximumf %max3A_507, %max3A_509 : vector<512x128xf32>
    %min3A_514 = arith.minimumf %min3A_465, %max3A_475 : vector<512x128xf32>
    %min3A_515 = arith.minimumf %max3A_466, %max3A_483 : vector<512x128xf32>
    %min3A_516 = arith.minimumf %min3A_467, %min3A_482 : vector<512x128xf32>
    %min3A_517 = arith.minimumf %max3A_468, %max3A_481 : vector<512x128xf32>
    %min3A_518 = arith.minimumf %max3A_460, %min3A_480 : vector<512x128xf32>
    %min3A_519 = arith.minimumf %min3A_514, %min3A_518 : vector<512x128xf32>
    %max3A_520 = arith.maximumf %min3A_514, %min3A_518 : vector<512x128xf32>
    %min3A_521 = arith.minimumf %min3A_519, %min3A_516 : vector<512x128xf32>
    %max3A_522 = arith.maximumf %min3A_519, %min3A_516 : vector<512x128xf32>
    %min3A_523 = arith.minimumf %min3A_515, %min3A_517 : vector<512x128xf32>
    %max3A_524 = arith.maximumf %min3A_515, %min3A_517 : vector<512x128xf32>
    %min3A_525 = arith.minimumf %min3A_521, %min3A_523 : vector<512x128xf32>
    %max3A_526 = arith.maximumf %min3A_521, %min3A_523 : vector<512x128xf32>
    %min3A_527 = arith.minimumf %max3A_522, %max3A_524 : vector<512x128xf32>
    %max3A_528 = arith.maximumf %max3A_522, %max3A_524 : vector<512x128xf32>
    %min3A_529 = arith.minimumf %min3A_510, %max3A_520 : vector<512x128xf32>
    %min3A_530 = arith.minimumf %max3A_511, %max3A_528 : vector<512x128xf32>
    %min3A_531 = arith.minimumf %min3A_512, %min3A_527 : vector<512x128xf32>
    %min3A_532 = arith.minimumf %max3A_513, %max3A_526 : vector<512x128xf32>
    %min3A_533 = arith.minimumf %max3A_505, %min3A_525 : vector<512x128xf32>
    %min3A_534 = arith.minimumf %min3A_529, %min3A_533 : vector<512x128xf32>
    %max3A_535 = arith.maximumf %min3A_529, %min3A_533 : vector<512x128xf32>
    %min3A_536 = arith.minimumf %min3A_534, %min3A_531 : vector<512x128xf32>
    %max3A_537 = arith.maximumf %min3A_534, %min3A_531 : vector<512x128xf32>
    %min3A_538 = arith.minimumf %min3A_530, %min3A_532 : vector<512x128xf32>
    %max3A_539 = arith.maximumf %min3A_530, %min3A_532 : vector<512x128xf32>
    %min3A_540 = arith.minimumf %min3A_536, %min3A_538 : vector<512x128xf32>
    %max3A_541 = arith.maximumf %min3A_536, %min3A_538 : vector<512x128xf32>
    %min3A_542 = arith.minimumf %max3A_537, %max3A_539 : vector<512x128xf32>
    %max3A_543 = arith.maximumf %max3A_537, %max3A_539 : vector<512x128xf32>
    %min3A_544 = arith.minimumf %min3A_540, %max3A_490 : vector<512x128xf32>
    %min3A_545 = arith.minimumf %max3A_541, %max3A_498 : vector<512x128xf32>
    %min3A_546 = arith.minimumf %min3A_542, %min3A_497 : vector<512x128xf32>
    %min3A_547 = arith.minimumf %max3A_543, %max3A_496 : vector<512x128xf32>
    %min3A_548 = arith.minimumf %max3A_535, %min3A_495 : vector<512x128xf32>
    %concatenate3A = tpu.concatenate %min3A_544, %min3A_545, %min3A_546, %min3A_547, %min3A_548 in 1 : vector<512x128xf32>, vector<512x128xf32>, vector<512x128xf32>, vector<512x128xf32>, vector<512x128xf32> -> vector<512x640xf32>
    %iota3A = tpu.iota {dimensions = array<i32: 1>} : vector<512x640xi32>
    %reduce_min3A = arith.constant dense<0x7F800000> : vector<512xf32>
    %reduce_min3A_549 = vector.multi_reduction <minimumf>, %concatenate3A, %reduce_min3A [1] : vector<512x640xf32> to vector<512xf32>
    %broadcast_in_dim3A = vector.shape_cast %reduce_min3A_549 : vector<512xf32> to vector<512x1xf32>
    %eq3A = vector.broadcast %broadcast_in_dim3A : vector<512x1xf32> to vector<512x640xf32>
    %eq3A_550 = arith.cmpf oeq, %concatenate3A, %eq3A : vector<512x640xf32>
    %jit3A = arith.constant 640 : i32
    %broadcast_in_dim3A_551 = vector.broadcast %jit3A : i32 to vector<512x640xi32>
    %select_n3A = arith.select %eq3A_550, %iota3A, %broadcast_in_dim3A_551 : vector<512x640xi1>, vector<512x640xi32>
    %reduce_min3A_552 = arith.constant dense<2147483647> : vector<512xi32>
    %reduce_min3A_553 = vector.multi_reduction <minsi>, %select_n3A, %reduce_min3A_552 [1] : vector<512x640xi32> to vector<512xi32>
    %broadcast_in_dim3A_554 = vector.shape_cast %reduce_min3A_553 : vector<512xi32> to vector<512x1xi32>
    %eq3A_555 = vector.broadcast %broadcast_in_dim3A_554 : vector<512x1xi32> to vector<512x640xi32>
    %eq3A_556 = arith.cmpi eq, %iota3A, %eq3A_555 : vector<512x640xi32>
    %jit3A_557 = arith.constant 3.40282347E+38 : f32
    %broadcast_in_dim3A_558 = vector.broadcast %jit3A_557 : f32 to vector<512x640xf32>
    %select_n3A_559 = arith.select %eq3A_556, %broadcast_in_dim3A_558, %concatenate3A : vector<512x640xi1>, vector<512x640xf32>
    %reduce_min3A_560 = arith.constant dense<0x7F800000> : vector<512xf32>
    %reduce_min3A_561 = vector.multi_reduction <minimumf>, %select_n3A_559, %reduce_min3A_560 [1] : vector<512x640xf32> to vector<512xf32>
    %broadcast_in_dim3A_562 = vector.shape_cast %reduce_min3A_561 : vector<512xf32> to vector<512x1xf32>
    %eq3A_563 = vector.broadcast %broadcast_in_dim3A_562 : vector<512x1xf32> to vector<512x640xf32>
    %eq3A_564 = arith.cmpf oeq, %select_n3A_559, %eq3A_563 : vector<512x640xf32>
    %jit3A_565 = arith.constant 640 : i32
    %broadcast_in_dim3A_566 = vector.broadcast %jit3A_565 : i32 to vector<512x640xi32>
    %select_n3A_567 = arith.select %eq3A_564, %iota3A, %broadcast_in_dim3A_566 : vector<512x640xi1>, vector<512x640xi32>
    %reduce_min3A_568 = arith.constant dense<2147483647> : vector<512xi32>
    %reduce_min3A_569 = vector.multi_reduction <minsi>, %select_n3A_567, %reduce_min3A_568 [1] : vector<512x640xi32> to vector<512xi32>
    %broadcast_in_dim3A_570 = vector.shape_cast %reduce_min3A_569 : vector<512xi32> to vector<512x1xi32>
    %eq3A_571 = vector.broadcast %broadcast_in_dim3A_570 : vector<512x1xi32> to vector<512x640xi32>
    %eq3A_572 = arith.cmpi eq, %iota3A, %eq3A_571 : vector<512x640xi32>
    %jit3A_573 = arith.constant 3.40282347E+38 : f32
    %broadcast_in_dim3A_574 = vector.broadcast %jit3A_573 : f32 to vector<512x640xf32>
    %select_n3A_575 = arith.select %eq3A_572, %broadcast_in_dim3A_574, %select_n3A_559 : vector<512x640xi1>, vector<512x640xf32>
    %reduce_min3A_576 = arith.constant dense<0x7F800000> : vector<512xf32>
    %reduce_min3A_577 = vector.multi_reduction <minimumf>, %select_n3A_575, %reduce_min3A_576 [1] : vector<512x640xf32> to vector<512xf32>
    %broadcast_in_dim3A_578 = vector.shape_cast %reduce_min3A_577 : vector<512xf32> to vector<512x1xf32>
    %eq3A_579 = vector.broadcast %broadcast_in_dim3A_578 : vector<512x1xf32> to vector<512x640xf32>
    %eq3A_580 = arith.cmpf oeq, %select_n3A_575, %eq3A_579 : vector<512x640xf32>
    %jit3A_581 = arith.constant 640 : i32
    %broadcast_in_dim3A_582 = vector.broadcast %jit3A_581 : i32 to vector<512x640xi32>
    %select_n3A_583 = arith.select %eq3A_580, %iota3A, %broadcast_in_dim3A_582 : vector<512x640xi1>, vector<512x640xi32>
    %reduce_min3A_584 = arith.constant dense<2147483647> : vector<512xi32>
    %reduce_min3A_585 = vector.multi_reduction <minsi>, %select_n3A_583, %reduce_min3A_584 [1] : vector<512x640xi32> to vector<512xi32>
    %broadcast_in_dim3A_586 = vector.shape_cast %reduce_min3A_585 : vector<512xi32> to vector<512x1xi32>
    %eq3A_587 = vector.broadcast %broadcast_in_dim3A_586 : vector<512x1xi32> to vector<512x640xi32>
    %eq3A_588 = arith.cmpi eq, %iota3A, %eq3A_587 : vector<512x640xi32>
    %jit3A_589 = arith.constant 3.40282347E+38 : f32
    %broadcast_in_dim3A_590 = vector.broadcast %jit3A_589 : f32 to vector<512x640xf32>
    %select_n3A_591 = arith.select %eq3A_588, %broadcast_in_dim3A_590, %select_n3A_575 : vector<512x640xi1>, vector<512x640xf32>
    %reduce_min3A_592 = arith.constant dense<0x7F800000> : vector<512xf32>
    %reduce_min3A_593 = vector.multi_reduction <minimumf>, %select_n3A_591, %reduce_min3A_592 [1] : vector<512x640xf32> to vector<512xf32>
    %broadcast_in_dim3A_594 = vector.shape_cast %reduce_min3A_593 : vector<512xf32> to vector<512x1xf32>
    %eq3A_595 = vector.broadcast %broadcast_in_dim3A_594 : vector<512x1xf32> to vector<512x640xf32>
    %eq3A_596 = arith.cmpf oeq, %select_n3A_591, %eq3A_595 : vector<512x640xf32>
    %jit3A_597 = arith.constant 640 : i32
    %broadcast_in_dim3A_598 = vector.broadcast %jit3A_597 : i32 to vector<512x640xi32>
    %select_n3A_599 = arith.select %eq3A_596, %iota3A, %broadcast_in_dim3A_598 : vector<512x640xi1>, vector<512x640xi32>
    %reduce_min3A_600 = arith.constant dense<2147483647> : vector<512xi32>
    %reduce_min3A_601 = vector.multi_reduction <minsi>, %select_n3A_599, %reduce_min3A_600 [1] : vector<512x640xi32> to vector<512xi32>
    %broadcast_in_dim3A_602 = vector.shape_cast %reduce_min3A_601 : vector<512xi32> to vector<512x1xi32>
    %eq3A_603 = vector.broadcast %broadcast_in_dim3A_602 : vector<512x1xi32> to vector<512x640xi32>
    %eq3A_604 = arith.cmpi eq, %iota3A, %eq3A_603 : vector<512x640xi32>
    %jit3A_605 = arith.constant 3.40282347E+38 : f32
    %broadcast_in_dim3A_606 = vector.broadcast %jit3A_605 : f32 to vector<512x640xf32>
    %select_n3A_607 = arith.select %eq3A_604, %broadcast_in_dim3A_606, %select_n3A_591 : vector<512x640xi1>, vector<512x640xf32>
    %reduce_min3A_608 = arith.constant dense<0x7F800000> : vector<512xf32>
    %reduce_min3A_609 = vector.multi_reduction <minimumf>, %select_n3A_607, %reduce_min3A_608 [1] : vector<512x640xf32> to vector<512xf32>
    %broadcast_in_dim3A_610 = vector.shape_cast %reduce_min3A_609 : vector<512xf32> to vector<512x1xf32>
    %lt3A = vector.broadcast %broadcast_in_dim3A_610 : vector<512x1xf32> to vector<512x10240xf32>
    %lt3A_611 = arith.cmpf olt, %add3A_15, %lt3A : vector<512x10240xf32>
    %convert_element_type3A = arith.extui %lt3A_611 : vector<512x10240xi1> to vector<512x10240xi32>
    %convert_element_type3A_612 = arith.sitofp %convert_element_type3A : vector<512x10240xi32> to vector<512x10240xf32>
    %eq3A_613 = vector.broadcast %broadcast_in_dim3A_610 : vector<512x1xf32> to vector<512x10240xf32>
    %eq3A_614 = arith.cmpf oeq, %add3A_15, %eq3A_613 : vector<512x10240xf32>
    %convert_element_type3A_615 = arith.extui %eq3A_614 : vector<512x10240xi1> to vector<512x10240xi32>
    %convert_element_type3A_616 = arith.sitofp %convert_element_type3A_615 : vector<512x10240xi32> to vector<512x10240xf32>
    %iota3A_617 = tpu.iota {dimensions = array<i32: 0>} : vector<16x10240xi32>
    %convert_element_type3A_618 = arith.fptosi %slice3A_11 : vector<1x10240xf32> to vector<1x10240xi32>
    %eq3A_619 = vector.broadcast %convert_element_type3A_618 : vector<1x10240xi32> to vector<16x10240xi32>
    %eq3A_620 = arith.cmpi eq, %eq3A_619, %iota3A_617 : vector<16x10240xi32>
    %convert_element_type3A_621 = arith.extui %eq3A_620 : vector<16x10240xi1> to vector<16x10240xi32>
    %convert_element_type3A_622 = arith.sitofp %convert_element_type3A_621 : vector<16x10240xi32> to vector<16x10240xf32>
    %dot_general3A_623 = arith.constant dense<0.000000e+00> : vector<512x16xf32>
    %dot_general3A_624 = tpu.matmul %convert_element_type3A_612, %convert_element_type3A_622, %dot_general3A_623 {dimension_numbers = #tpu.dot_dimension_numbers<[1], [1], [0], [0], [0, 0, 1, 0], [], []>, transpose_lhs_hint = false} : vector<512x10240xf32>, vector<16x10240xf32>, vector<512x16xf32> -> vector<512x16xf32>
    %dot_general3A_625 = arith.constant dense<0.000000e+00> : vector<512x16xf32>
    %dot_general3A_626 = tpu.matmul %convert_element_type3A_616, %convert_element_type3A_622, %dot_general3A_625 {dimension_numbers = #tpu.dot_dimension_numbers<[1], [1], [0], [0], [0, 0, 1, 0], [], []>, transpose_lhs_hint = false} : vector<512x10240xf32>, vector<16x10240xf32>, vector<512x16xf32> -> vector<512x16xf32>
    %reduce_sum3A = arith.constant dense<0.000000e+00> : vector<512xf32>
    %reduce_sum3A_627 = vector.multi_reduction <add>, %dot_general3A_624, %reduce_sum3A [1] : vector<512x16xf32> to vector<512xf32>
    %broadcast_in_dim3A_628 = vector.shape_cast %reduce_sum3A_627 : vector<512xf32> to vector<512x1xf32>
    %iota3A_629 = tpu.iota {dimensions = array<i32: 1>} : vector<512x16xi32>
    %gt3A = arith.constant 0.000000e+00 : f32
    %gt3A_630 = vector.broadcast %gt3A : f32 to vector<512x16xf32>
    %gt3A_631 = arith.cmpf ogt, %dot_general3A_626, %gt3A_630 : vector<512x16xf32>
    %jit3A_632 = arith.constant 16 : i32
    %broadcast_in_dim3A_633 = vector.broadcast %jit3A_632 : i32 to vector<512x16xi32>
    %select_n3A_634 = arith.select %gt3A_631, %iota3A_629, %broadcast_in_dim3A_633 : vector<512x16xi1>, vector<512x16xi32>
    %reduce_min3A_635 = arith.constant dense<2147483647> : vector<512xi32>
    %reduce_min3A_636 = vector.multi_reduction <minsi>, %select_n3A_634, %reduce_min3A_635 [1] : vector<512x16xi32> to vector<512xi32>
    %broadcast_in_dim3A_637 = vector.shape_cast %reduce_min3A_636 : vector<512xi32> to vector<512x1xi32>
    %eq3A_638 = vector.broadcast %broadcast_in_dim3A_637 : vector<512x1xi32> to vector<512x16xi32>
    %eq3A_639 = arith.cmpi eq, %iota3A_629, %eq3A_638 : vector<512x16xi32>
    %sub3A = arith.constant 5.000000e+00 : f32
    %sub3A_640 = vector.broadcast %sub3A : f32 to vector<512x1xf32>
    %sub3A_641 = arith.subf %sub3A_640, %broadcast_in_dim3A_628 : vector<512x1xf32>
    %jit3A_642 = arith.constant 0.000000e+00 : f32
    %broadcast_in_dim3A_643 = vector.shape_cast %sub3A_641 : vector<512x1xf32> to vector<512x1xf32>
    %broadcast_in_dim3A_644 = vector.broadcast %broadcast_in_dim3A_643 : vector<512x1xf32> to vector<512x16xf32>
    %broadcast_in_dim3A_645 = vector.broadcast %jit3A_642 : f32 to vector<512x16xf32>
    %select_n3A_646 = arith.select %eq3A_639, %broadcast_in_dim3A_644, %broadcast_in_dim3A_645 : vector<512x16xi1>, vector<512x16xf32>
    %add3A_647 = arith.addf %dot_general3A_624, %select_n3A_646 : vector<512x16xf32>
    %reduce_max3A = arith.constant dense<0xFF800000> : vector<512xf32>
    %reduce_max3A_648 = vector.multi_reduction <maximumf>, %add3A_647, %reduce_max3A [1] : vector<512x16xf32> to vector<512xf32>
    %broadcast_in_dim3A_649 = vector.shape_cast %reduce_max3A_648 : vector<512xf32> to vector<512x1xf32>
    %iota3A_650 = tpu.iota {dimensions = array<i32: 1>} : vector<512x16xi32>
    %eq3A_651 = vector.broadcast %broadcast_in_dim3A_649 : vector<512x1xf32> to vector<512x16xf32>
    %eq3A_652 = arith.cmpf oeq, %add3A_647, %eq3A_651 : vector<512x16xf32>
    %jit3A_653 = arith.constant 16 : i32
    %broadcast_in_dim3A_654 = vector.broadcast %jit3A_653 : i32 to vector<512x16xi32>
    %select_n3A_655 = arith.select %eq3A_652, %iota3A_650, %broadcast_in_dim3A_654 : vector<512x16xi1>, vector<512x16xi32>
    %reduce_min3A_656 = arith.constant dense<2147483647> : vector<512xi32>
    %reduce_min3A_657 = vector.multi_reduction <minsi>, %select_n3A_655, %reduce_min3A_656 [1] : vector<512x16xi32> to vector<512xi32>
    %broadcast_in_dim3A_658 = vector.shape_cast %reduce_min3A_657 : vector<512xi32> to vector<512x1xi32>
    %eq3A_659 = vector.broadcast %broadcast_in_dim3A_658 : vector<512x1xi32> to vector<512x16xi32>
    %eq3A_660 = arith.cmpi eq, %iota3A_650, %eq3A_659 : vector<512x16xi32>
    %convert_element_type3A_661 = arith.extui %eq3A_660 : vector<512x16xi1> to vector<512x16xi32>
    %convert_element_type3A_662 = arith.sitofp %convert_element_type3A_661 : vector<512x16xi32> to vector<512x16xf32>
    %get3A_663 = arith.constant 0 : index
    %get3A_664 = arith.constant 0 : index
    %get3A_665 = vector.load %arg5[%get3A_663, %get3A_664] : memref<16x16xf32, #tpu.memory_space<vmem>>, vector<16x16xf32>
    %dot_general3A_666 = arith.constant dense<0.000000e+00> : vector<512x16xf32>
    %dot_general3A_667 = tpu.matmul %convert_element_type3A_662, %get3A_665, %dot_general3A_666 {dimension_numbers = #tpu.dot_dimension_numbers<[1], [0], [0], [1], [0, 0, 1, 1], [], []>, transpose_lhs_hint = false} : vector<512x16xf32>, vector<16x16xf32>, vector<512x16xf32> -> vector<512x16xf32>
    %slice3A_668 = vector.extract_strided_slice %dot_general3A_667 {offsets = [0, 0], sizes = [512, 10], strides = [1, 1]} : vector<512x16xf32> to vector<512x10xf32>
    %swap3A = arith.constant 0 : index
    %swap3A_669 = arith.constant 0 : index
    %swap3A_670 = vector.load %arg6[%swap3A, %swap3A_669] : memref<512x10xf32, #tpu.memory_space<vmem>>, vector<512x10xf32>
    tpu.vector_store %arg6[%swap3A, %swap3A_669], %slice3A_668 {strides = array<i32>} : memref<512x10xf32, #tpu.memory_space<vmem>>, vector<512x10xf32>,
    return
  }
  func.func @transform_0(%arg0: i32) -> (i32, i32) {
    %c0_i32 = arith.constant 0 : i32
    %c0_i32_0 = arith.constant 0 : i32
    return %arg0, %c0_i32 : i32, i32
  }
  func.func @transform_1(%arg0: i32) -> (i32, i32) {
    %c0_i32 = arith.constant 0 : i32
    %c0_i32_0 = arith.constant 0 : i32
    return %arg0, %c0_i32 : i32, i32
  }
  func.func @transform_2(%arg0: i32) -> (i32, i32) {
    %c0_i32 = arith.constant 0 : i32
    %c0_i32_0 = arith.constant 0 : i32
    %c0_i32_1 = arith.constant 0 : i32
    return %c0_i32, %c0_i32_0 : i32, i32
  }
  func.func @transform_3(%arg0: i32) -> (i32, i32) {
    %c0_i32 = arith.constant 0 : i32
    %c0_i32_0 = arith.constant 0 : i32
    %c0_i32_1 = arith.constant 0 : i32
    return %c0_i32, %c0_i32_0 : i32, i32
  }
  func.func @transform_4(%arg0: i32) -> (i32, i32) {
    %c0_i32 = arith.constant 0 : i32
    %c0_i32_0 = arith.constant 0 : i32
    %c0_i32_1 = arith.constant 0 : i32
    return %c0_i32, %c0_i32_0 : i32, i32
  }
  func.func @transform_5(%arg0: i32) -> (i32, i32) {
    %c0_i32 = arith.constant 0 : i32
    %c0_i32_0 = arith.constant 0 : i32
    return %arg0, %c0_i32 : i32, i32
  }
}

</mosaic_0001>

<sc_bundles>
// kernel: kernel.4.cloned.1.call-start
scs
__scs_entry_jumppad:
0x0: {  	(pc) =	sbr.rel $0x88, $3  }
0x1: {  	(tag) =	ssettag $0x0;
	lr =	simm.s32 $0x1  }
0x2: {  	[smem:$0x3F9D] =	sst lr;
	_ =	strace $0xD0000000  }
0x3: {  	_ = 	snop  }
0x4: {  	_ = 	snop  }
0x5: {  	_ = 	snop  }
0x6: {  	_ = 	snop  }
0x7: {  	_ = 	snop  }
__scs_overlays_trampoline_lowered:
0x8: {  	[smem:$0x3FAC] =	sst s0  }
0x9: {  	[smem:$0x3FAD] =	sst s1  }
0xa: {  	[smem:$0x3FAE] =	sst s2  }
0xb: {  	[smem:$0x3FAF] =	sst s3  }
0xc: {  	[smem:$0x3FB0] =	sst s4  }
0xd: {  	[smem:$0x3FB1] =	sst s5  }
0xe: {  	[smem:$0x3FB2] =	sst s6  }
0xf: {  	[smem:$0x3FB3] =	sst s7  }
0x10: {  	[smem:$0x3FB4] =	sst s8  }
0x11: {  	[smem:$0x3FB5] =	sst s9;
	s0 =	simm.s32 @!p0 $0x0  }
0x12: {  	s1 =	sld [smem:$0x3F9B];
	s0 =	simm.s32 @p0 $0x1  }
0x13: {  	[smem:$0x3FB6] =	sst s0;
	s0 =	simm.s32 @!p1 $0x0  }
0x14: {  	s2 =	sld [smem:$0x3F9A];
	s0 =	simm.s32 @p1 $0x1  }
0x15: {  	[smem:$0x3FB7] =	sst s0;
	s0 =	simm.s32 @!p2 $0x0  }
0x16: {  	s3 =	sld [smem:$0x3FDB];
	s0 =	simm.s32 @p2 $0x1  }
0x17: {  	s4 =	simm.s32 $0x1BF5;
	[smem:$0x3FB9] =	sst s0  }
0x18: {  	s0 =	sld [smem:$0x3F9C];
	_ =	swait.ge [sflag:s4], $0x0  }
0x19: {  	s7 =	sld [smem:$0x3F9D]  }
0x1a: {  	s8 =	sadd.s32 $0xFFFFE003, lr  }
0x1b: {  	s9 =	sadd.s32 $0xFFFFFEF7, lr;
	s5 =	simm.s32 $0xFFFFFFFF;
	p2 =	slt.u32 s8, $0xFFFFF086  }
0x1c: {  	p1 =	slt.u32 s9, $0xF7A;
	s5 =	simm.s32 @!p2 $0x0  }
0x1d: {  	s5 =	simm.s32 @p1 $0x1;
	p0 =	seq.s32 s7, s2  }
0x1e: {  	s7 =	smul.u32 @!p0 $0xF7A, s2;
	p2 =	seq.s32 @!p0 s5, $0x0  }
0x1f: {  	s9 =	smul.u32 $0xF7A, s1;
	s8 =	simm.s32 @!p0 $0x1BF5;
	p2 =	por !p2, p0  }
0x20: {  	[sflag:s8] =	ssyncset.s32 @!p0 $0xFFFFF086;
	s6 =	sadd.s32 @!p0 s3, s7;
	s7 =	simm.s32 @!p0 $0x108  }
0x21: {  	s3 =	sadd.s32 s3, s9;
	s6 =	sadd.s32 @!p0 $0x88, s6;
	s7 =	simm.s32 @p2 $0x1082  }
0x22: {  	[simem:s7], [sflag:s8] =	dma.local @!p0 [hbm:s6], $0xF7A  }
0x23: {  	s9 =	sor.u32 $0xD0000000, s2;
	s6 =	simm.s32 $0x108;
	_ =	swait.ge @!p0 [sflag:s8], $0x0  }
0x24: {  	s3 =	sadd.s32 $0x88, s3;
	s6 =	simm.s32 @!p1 $0x1082;
	[sflag:s4] =	ssyncset.s32 $0xFFFFF086  }
0x25: {  	[simem:s6], [sflag:s4] =	dma.local [hbm:s3], $0xF7A  }
0x26: {  	[smem:$0x3F9D] =	sst s1;
	(tag) =	ssettag s2;
	_ =	strace s9  }
0x27: {  	s1 =	sld [smem:$0x3FAD]  }
0x28: {  	s2 =	sld [smem:$0x3FAE]  }
0x29: {  	s4 =	sld [smem:$0x3FB0]  }
0x2a: {  	p0 =	seq.s32 s5, $0x0;
	s5 =	sld [smem:$0x3FB1]  }
0x2b: {  	s6 =	sld [smem:$0x3FB2]  }
0x2c: {  	s7 =	sld [smem:$0x3FB3]  }
0x2d: {  	s3 =	simm.s32 $0x108;
	s8 =	sld [smem:$0x3FB4]  }
0x2e: {  	s3 =	simm.s32 @!p0 $0x1082;
	s9 =	sld [smem:$0x3FB5]  }
0x2f: {  	lr =	sadd.s32 s0, s3;
	s0 =	sld [smem:$0x3FAC]  }
0x30: {  	s3 =	sld [smem:$0x3FAF]  }
0x31: {  	[smem:$0x3FB8] =	sst s10  }
0x32: {  	s10 =	sld [smem:$0x3FB6];
	_ =	sdelay $0x3  }
0x33: {  	p0 =	seq.s32 s10, $0x1;
	s10 =	sld [smem:$0x3FB8];
	_ =	sdelay $0x3  }
0x34: {  	[smem:$0x3FB8] =	sst s10  }
0x35: {  	s10 =	sld [smem:$0x3FB7];
	_ =	sdelay $0x3  }
0x36: {  	p1 =	seq.s32 s10, $0x1;
	s10 =	sld [smem:$0x3FB8];
	_ =	sdelay $0x3  }
0x37: {  	[smem:$0x3FB8] =	sst s10  }
0x38: {  	s10 =	sld [smem:$0x3FB9]  }
0x39: {  	_ = 	snop;
	(pc) =	sbr.ind lr, $3  }
0x3a: {  	_ = 	snop  }
0x3b: {  	_ = 	snop  }
0x3c: {  	p2 =	seq.s32 s10, $0x1;
	s10 =	sld [smem:$0x3FB8]  }
0x3d: {  	_ =	shalt  }
0x3e: {  	_ =	shalt  }
0x3f: {  	_ =	shalt  }
0x40: {  	_ =	shalt  }
0x41: {  	_ =	shalt  }
0x42: {  	_ =	shalt  }
0x43: {  	_ =	shalt  }
0x44: {  	_ =	shalt  }
0x45: {  	_ =	shalt  }
0x46: {  	_ =	shalt  }
0x47: {  	_ =	shalt  }
0x48: {  	_ =	shalt  }
0x49: {  	_ =	shalt  }
0x4a: {  	_ =	shalt  }
0x4b: {  	_ =	shalt  }
0x4c: {  	_ =	shalt  }
0x4d: {  	_ =	shalt  }
0x4e: {  	_ =	shalt  }
0x4f: {  	_ =	shalt  }
0x50: {  	_ =	shalt  }
0x51: {  	_ =	shalt  }
0x52: {  	_ =	shalt  }
0x53: {  	_ =	shalt  }
0x54: {  	_ =	shalt  }
0x55: {  	_ =	shalt  }
0x56: {  	_ =	shalt  }
0x57: {  	_ =	shalt  }
0x58: {  	_ =	shalt  }
0x59: {  	_ =	shalt  }
0x5a: {  	_ =	shalt  }
0x5b: {  	_ =	shalt  }
0x5c: {  	_ =	shalt  }
0x5d: {  	_ =	shalt  }
0x5e: {  	_ =	shalt  }
0x5f: {  	_ =	shalt  }
0x60: {  	_ =	shalt  }
0x61: {  	_ =	shalt  }
0x62: {  	_ =	shalt  }
0x63: {  	_ =	shalt  }
0x64: {  	_ =	shalt  }
0x65: {  	_ =	shalt  }
0x66: {  	_ =	shalt  }
0x67: {  	_ =	shalt  }
0x68: {  	_ =	shalt  }
0x69: {  	_ =	shalt  }
0x6a: {  	_ =	shalt  }
0x6b: {  	_ =	shalt  }
0x6c: {  	_ =	shalt  }
0x6d: {  	_ =	shalt  }
0x6e: {  	_ =	shalt  }
0x6f: {  	_ =	shalt  }
0x70: {  	_ =	shalt  }
0x71: {  	_ =	shalt  }
0x72: {  	_ =	shalt  }
0x73: {  	_ =	shalt  }
0x74: {  	_ =	shalt  }
0x75: {  	_ =	shalt  }
0x76: {  	_ =	shalt  }
0x77: {  	_ =	shalt  }
0x78: {  	_ =	shalt  }
0x79: {  	_ =	shalt  }
0x7a: {  	_ =	shalt  }
0x7b: {  	_ =	shalt  }
0x7c: {  	_ =	shalt  }
0x7d: {  	_ =	shalt  }
0x7e: {  	_ =	shalt  }
0x7f: {  	_ =	shalt  }
0x80: {  	_ =	shalt  }
0x81: {  	_ =	shalt  }
0x82: {  	_ =	shalt  }
0x83: {  	_ =	shalt  }
0x84: {  	_ =	shalt  }
0x85: {  	_ =	shalt  }
0x86: {  	_ =	shalt  }
0x87: {  	_ =	shalt  }
.Lfunc_end0:
.L_simem_size_0:
called_computation_lowered:
.L_overlay_start_0:
0x88: {  	s2 =	sld [smem:$0x3FD9]  }
0x89: {  	s3 =	sld [smem:$0x3FFE];
	_ =	sdelay $0x1  }
0x8a: {  	s1 =	srdreg.scid  }
0x8b: {  	s0 =	sand.u32 $0x1, s1  }
0x8c: {  	s17 =	sshll.u32 s0, $0xA;
	s2 =	sadd.s32 s3, s2  }
0x8d: {  	s2 =	sadd.s32 s2, s17  }
0x8e: {  	[smem:$0x3FC4] =	sst s2  }
0x8f: {  	_ = 	snop  }
0x90: {  	s2 =	sld [smem:$0x3FD0];
	(tm) =	ssettm $0x1  }
0x91: {  	s18 =	sld [smem:$0x3FFB];
	_ =	sdelay $0x3  }
0x92: {  	_ =	strace s18  }
0x93: {  	s3 =	sld [smem:$0x3FFC];
	_ =	sdelay $0x3  }
0x94: {  	_ =	strace s3  }
0x95: {  	s3 =	sld [smem:$0x3FFD];
	_ =	sdelay $0x3  }
0x96: {  	_ =	strace s3  }
0x97: {  	_ =	strace $0x8FFFFFFF  }
0x98: {  	s19 =	sld [smem:$0x3FDB];
	_ =	sdelay $0x1  }
0x99: {  	s4 =	simm.s32 $_scs_section_size  }
0x9a: {  	s5 =	simm.s32 $_size__tile_overlayer_lowered;
	s6 =	simm.s32 $_tile_overlayer_lowered  }
0x9b: {  	s22 =	simm.s32 $0x1BFF;
	s21 =	sshll.u32 s6, $0x1;
	s3 =	sadd.s32 s4, s19  }
0x9c: {  	s7 =	simm.s32 $0x0;
	s20 =	sshll.u32 s5, $0x1;
	s5 =	sadd.s32 s21, s3  }
0x9d: {  	[timem:s7], [sflag:s22] =	dma.local [hbm:s5], s20  }
0x9e: {  	_ =	swait.ge [sflag:s22], s20  }
0x9f: {  	s4 =	ssub.s32 $0x0, s20;
	[sflag:s22] =	ssyncset.done $0x0  }
0xa0: {  	[sflag:s22] =	ssyncadd.s32 s4;
	_ =	sdelay $0x1  }
0xa1: {  	s23 =	simm.s32 $0x1B8B  }
0xa2: {  	_ =	swait.ge [sflag:s23], $0x1  }
0xa3: {  	[sflag:s23] =	ssyncset.done $0x0  }
0xa4: {  	s25 =	simm.s32 $0x1B8E;
	s24 =	sld [smem:$0x3FFE];
	[sflag:s23] =	ssyncadd.s32 $0xFFFFFFFF  }
0xa5: {  	s26 =	simm.s32 $execute0_lowered;
	[smem:$0x3FD2] =	sst s25  }
0xa6: {  	s5 =	sshll.u32 s26, $0x1;
	_ =	strace $0x80000046;
	[dreg:$0x1] =	wrdreg $0xFFFFFFFF  }
0xa7: {  	s28 =	simm.s32 $_size_execute0_lowered;
	s3 =	sadd.s32 s3, s5;
	[dreg:$0x0] =	wrdreg $0x0  }
0xa8: {  	s5 =	sshll.u32 s28, $0x1;
	[dreg:$0x2] =	wrdreg s3  }
0xa9: {  	[dreg:$0x3] =	wrdreg s5  }
0xaa: {  	[dreg:$0x4] =	wrdreg $0xC0  }
0xab: {  	_ =	task [dreg:s7], $0x5FFFF  }
0xac: {  	[dreg:$0x1] =	wrdreg $0xFFFFFFFF  }
0xad: {  	[dreg:$0x0] =	wrdreg $0x60  }
0xae: {  	[dreg:$0x2] =	wrdreg s24  }
0xaf: {  	[dreg:$0x3] =	wrdreg s2  }
0xb0: {  	[dreg:$0x4] =	wrdreg $0x9  }
0xb1: {  	_ =	task.clear_ibuf [dreg:s7], $0x5FFFF;
	_ =	strace $0x90000046  }
0xb2: {  	s29 =	simm.s32 $0x9;
	_ =	strace $0x80000048  }
0xb3: {  	_ =	swait.ge [sflag:s29], $0x1  }
0xb4: {  	[sflag:s29] =	ssyncadd.s32 $0xFFFFFFFF  }
0xb5: {  	_ =	strace $0x90000048  }
0xb6: {  	_ =	sfence  }
0xb7: {  	s30 =	sld [smem:$0x0];
	_ =	sdelay $0x2  }
0xb8: {  	s31 =	sshll.u32 s1, $0xD;
	s1 =	sshrl.u32 s1, $0x2  }
0xb9: {  	s3 =	sand.u32 $0x4000, s31;
	s1 =	sadd.s32 s1, s30  }
0xba: {  	s0 =	sor.u32 s3, s0;
	s1 =	sshll.u32 s1, $0x11  }
0xbb: {  	s0 =	sor.u32 s1, s0  }
0xbc: {  	s0 =	sadd.s32 $0x8F2B, s0  }
0xbd: {  	[sflag:s0] =	ssyncadd.remote.s32 $0x1  }
0xbe: {  	_ =	sfence.sel $0xFFFF  }
0xbf: {  	[dreg:$0x0] =	wrdreg $0xFFFFFFFF;
	(pc) =	sbr.abs _section_cstart, $3  }
0xc0: {  	[dreg:$0x1] =	wrdreg $0xFFFFFFFF  }
0xc1: {  	_ =	task.clear_ibuf [dreg:s7], $0x2FFFF;
	_ =	strace $0x9FFFFFFF  }
0xc2: {  	(tm) =	ssettm $0x7FFFFFFF  }
0xc3: {  	_ =	shalt  }
tec
execute0_lowered:
.L_overlay_start_1:
0x0: {  	(tag) =	ssettag $0x1  }
0x1: {  	s1 =	srdreg.scid;
	s0 =	stileid.u32  }
0x2: {  	s10 =	sand.u32 $0x1, s1;
	s29 =	sshll.u32 s0, $0x1  }
0x3: {  	s9 =	rddreg [dreg:$0x0];
	s8 =	sor.u32 s10, s29  }
0x4: {  	s11 =	rddreg [dreg:$0x1];
	s3 =	smul.u32 $0x28, s8  }
0x5: {  	s2 =	simm.s32 $0x0;
	s1 =	rddreg [dreg:$0x2]  }
0x6: {  	[smem:$0x7FF] =	sst s2;
	s12 =	sadd.s32 s3, s9  }
0x7: {  	_ =	strace $0x80000047;
	s3 =	simm.s32 $0x2;
	s4 =	sadd.s32 $0x18A00, s12  }
0x8: {  	[tilespmem:s2], [sflag:$0x2] =	stream.linear.gather [hbm4b:s4+s2], $0x140, $0x38;
	[tilespmem:$0x1680] =	vst v63  }
0x9: {  	_ =	swait.ge [sflag:s3], $0x140  }
0xa: {  	s6 =	simm.s32 $0x140;
	[sflag:s3] =	ssyncset.done $0x0  }
0xb: {  	s7 =	simm.s32 $0x1;
	s5 =	sadd.s32 $0x200, s9;
	[sflag:s3] =	ssyncadd.s32 $0xFFFFFEC0  }
0xc: {  	[tilespmem:s6], [sflag:$0x1] =	stream.indirect.gather [hbm4b:s5+s6], $0x10, s2, s6, $0xb8;
	[tilespmem:$0x1680] =	vst v63  }
0xd: {  	s8 =	smul.u32 $0x280, s8;
	_ =	swait.ge [sflag:s7], $0x1400  }
0xe: {  	[sflag:s7] =	ssyncset.done $0x0  }
0xf: {  	s30 =	ssub.s32 $0x2, s10;
	s8 =	sadd.s32 s11, s8;
	[sflag:s7] =	ssyncadd.s32 $0xFFFFEC00  }
0x10: {  	[hbm4b:s8+s2] =	stream.linear.scatter [tilespmem:s6], [sflag:$0x2], $0x1400, $0x38;
	[tilespmem:$0x1680] =	vst v63  }
0x11: {  	s13 =	sshrl.u32 s30, $0x1;
	_ =	swait.ge [sflag:s3], $0x1400  }
0x12: {  	s10 =	simm.s32 $0x1540;
	s13 =	ssub.s32 s30, s13;
	[sflag:s3] =	ssyncset.done $0x0  }
0x13: {  	s9 =	sadd.s32 $0x19000, s9;
	s31 =	smax.u32 s13, $0x1;
	[sflag:s3] =	ssyncadd.s32 $0xFFFFEC00  }
0x14: {  	[tilespmem:s10], [sflag:$0x1] =	stream.indirect.gather [hbm4b:s9+s6], $0x1, s2, s6, $0xb8;
	[tilespmem:$0x1680] =	vst v63  }
0x15: {  	p0 =	sne.s32 s31, $0x1;
	_ =	swait.ge [sflag:s7], $0x140  }
.Ltmp0:
0x16: {  	[sflag:s7] =	ssyncset.done $0x0;
	(pc) =	sbr.rel @!p0 .LBB2_2-.Ltmp0, $4  }
0x17: {  	s11 =	sadd.s32 $0x1AA00, s12;
	[sflag:s7] =	ssyncadd.s32 $0xFFFFFEC0  }
0x18: {  	[hbm4b:s11+s2] =	stream.linear.scatter [tilespmem:s10], [sflag:$0x2], $0x140, $0x38;
	[tilespmem:$0x1680] =	vst v63  }
0x19: {  	_ =	swait.ge [sflag:s3], $0x140  }
0x1a: {  	s12 =	sadd.s32 $0xFFFFFFFF, s31;
	[sflag:s3] =	ssyncset.done $0x0  }
.LBB2_1:
0x1b: {  	p0 =	sne.s32 s12, $0x1;
	s12 =	sadd.s32 $0xFFFFFFFF, s12;
	[sflag:s3] =	ssyncadd.s32 $0xFFFFFEC0  }
0x1c: {  	[tilespmem:s2], [sflag:$0x2] =	stream.linear.gather [hbm4b:s4+s2], $0x140, $0x38;
	[tilespmem:$0x1680] =	vst v63  }
0x1d: {  	_ =	swait.ge [sflag:s3], $0x140  }
0x1e: {  	[sflag:s3] =	ssyncset.done $0x0  }
0x1f: {  	[sflag:s3] =	ssyncadd.s32 $0xFFFFFEC0  }
0x20: {  	[tilespmem:s6], [sflag:$0x1] =	stream.indirect.gather [hbm4b:s5+s6], $0x10, s2, s6, $0xb8;
	[tilespmem:$0x1680] =	vst v63  }
0x21: {  	_ =	swait.ge [sflag:s7], $0x1400  }
0x22: {  	[sflag:s7] =	ssyncset.done $0x0  }
0x23: {  	[sflag:s7] =	ssyncadd.s32 $0xFFFFEC00  }
0x24: {  	[hbm4b:s8+s2] =	stream.linear.scatter [tilespmem:s6], [sflag:$0x2], $0x1400, $0x38;
	[tilespmem:$0x1680] =	vst v63  }
0x25: {  	_ =	swait.ge [sflag:s3], $0x1400  }
0x26: {  	[sflag:s3] =	ssyncset.done $0x0  }
0x27: {  	[sflag:s3] =	ssyncadd.s32 $0xFFFFEC00  }
0x28: {  	[tilespmem:s10], [sflag:$0x1] =	stream.indirect.gather [hbm4b:s9+s6], $0x1, s2, s6, $0xb8;
	[tilespmem:$0x1680] =	vst v63  }
0x29: {  	_ =	swait.ge [sflag:s7], $0x140  }
.Ltmp1:
0x2a: {  	[sflag:s7] =	ssyncset.done $0x0;
	(pc) =	sbr.rel @p0 .LBB2_1-.Ltmp1, $4  }
0x2b: {  	[sflag:s7] =	ssyncadd.s32 $0xFFFFFEC0  }
0x2c: {  	[hbm4b:s11+s2] =	stream.linear.scatter [tilespmem:s10], [sflag:$0x2], $0x140, $0x38;
	[tilespmem:$0x1680] =	vst v63  }
0x2d: {  	_ =	swait.ge [sflag:s3], $0x140  }
0x2e: {  	[sflag:s3] =	ssyncset.done $0x0  }
.LBB2_2:
0x2f: {  	[sflag:s3] =	ssyncadd.s32 $0xFFFFFEC0  }
0x30: {  	_ =	sfence.sel $0x180000  }
0x31: {  	[bflag:$0x0] =	sbarrier.arrive $0xFFFF  }
0x32: {  	p0 =	sne.s32 s0, $0x0;
	_ =	strace $0x90000047  }
0x33: {  	s0 =	sadd.s32 @!p0 $0x100000, s1;
	[bflag:$0x2] =	sbarrier.arrive $0xFFFF  }
0x34: {  	[sflag:s0] =	ssyncadd.tile.s32 @!p0 $0x1;
	_ =	shalt  }
.Lfunc_end2:
_tile_overlayer_lowered:
.L_overlay_start_2:
0x35: {  	(tag) =	ssettag $0x2  }
0x36: {  	s0 =	rddreg [dreg:$0x0];
	s2 =	stileid.u32  }
0x37: {  	s1 =	rddreg [dreg:$0x1];
	p0 =	sne.s32 s2, $0x0  }
0x38: {  	s3 =	rddreg [dreg:$0x2];
	[bflag:$0x3] =	sbarrier.arrive $0xFFFF;
	s2 =	simm.s32 @!p0 $0x1C02  }
0x39: {  	[timem:s3], [sflag:s2] =	dma.local @!p0 [hbm:s0], s1  }
0x3a: {  	s0 =	simm.s32 @!p0 $0x2  }
0x3b: {  	_ =	swait.ge @!p0 [sflag:s0], s1  }
0x3c: {  	s1 =	ssub.s32 @!p0 $0x0, s1;
	[sflag:s0] =	ssyncset.done @!p0 $0x0  }
0x3d: {  	[sflag:s0] =	ssyncadd.s32 @!p0 s1  }
0x3e: {  	[bflag:$0x3] =	sbarrier.arrive $0xFFFF  }
0x3f: {  	_ =	shalt  }

</sc_bundles>
